<compile_context>
chip_gen: v7x
topology: tpu7x:2x2x1
jax: 0.10.2.dev20260603
libtpu: 0.0.44.dev20260713+nightly
codegen_flags: <defaults>
</compile_context>

<pallas_src>
import functools

import jax
import jax.numpy as jnp
from jax import lax
from jax.experimental import pallas as pl
from jax.experimental.pallas import tpu as pltpu
from jax.experimental.pallas import tpu_sc as plsc

VOCAB = 1000
V_PAD = 1024
EMBED_DIM = 64
BATCH = 16384

NUM_CORES = 2
NUM_SUBCORES = 16
NUM_WORKERS = NUM_CORES * NUM_SUBCORES
LANES = 16

D_GROUPS = 8
D_PER_G = EMBED_DIM // D_GROUPS
Q_SPLITS = NUM_WORKERS // D_GROUPS
B_PER_Q = BATCH // Q_SPLITS
N_K = B_PER_Q // LANES
L_TILES = V_PAD // 128


@functools.cache
def _emb_kernel():
    mesh = plsc.VectorSubcoreMesh(
        core_axis_name="c", subcore_axis_name="s",
        num_cores=NUM_CORES, num_subcores=NUM_SUBCORES)

    @functools.partial(
        pl.kernel,
        mesh=mesh,
        out_type=jax.ShapeDtypeStruct((EMBED_DIM, BATCH), jnp.float32),
        scratch_types=[
            pltpu.VMEM((D_PER_G, VOCAB), jnp.float32),
            pltpu.VMEM((EMBED_DIM,), jnp.float32),
            pltpu.VMEM((B_PER_Q,), jnp.int32),
            pltpu.VMEM((D_PER_G, B_PER_Q), jnp.float32),
            pltpu.SemaphoreType.DMA,
        ],
        compiler_params=pltpu.CompilerParams(
            use_tc_tiling_on_sc=True, needs_layout_passes=False),
    )
    def body(w_hbm, b_hbm, idx_hbm, out_hbm, w_v, b_v, idx_v, stage_v, sem):
        wid = lax.axis_index("s") * NUM_CORES + lax.axis_index("c")
        g = wid // Q_SPLITS
        q = wid % Q_SPLITS
        pre = [pltpu.async_copy(idx_hbm.at[pl.ds(q * B_PER_Q, B_PER_Q)],
                                idx_v, sem),
               pltpu.async_copy(b_hbm, b_v, sem)]
        pre.append(pltpu.async_copy(
            w_hbm.at[pl.ds(g * D_PER_G, D_PER_G)], w_v, sem))
        for c in pre:
            c.wait()
        biases = [
            plsc.load_gather(b_v, [jnp.full((LANES,), g * D_PER_G + dl,
                                            jnp.int32)])
            for dl in range(D_PER_G)
        ]
        dls = [jnp.full((LANES,), dl, jnp.int32) for dl in range(D_PER_G)]

        @plsc.parallel_loop(0, N_K, step=1, unroll=4)
        def kbody(k):
            col = k * LANES
            i16 = idx_v[pl.ds(col, LANES)]
            for dl in range(D_PER_G):
                v = plsc.load_gather(w_v, [dls[dl], i16])
                stage_v[dl, pl.ds(col, LANES)] = v + biases[dl]
        pltpu.sync_copy(stage_v,
                        out_hbm.at[pl.ds(g * D_PER_G, D_PER_G),
                                   pl.ds(q * B_PER_Q, B_PER_Q)])

    return body


def kernel(x, W, b):
    idx = x.astype(jnp.int32)
    out_t = _emb_kernel()(W, b, idx)
    return out_t.T

# --- scband reference (transcript-rebuilt; emitter-appended) ---
"""Pipeline reference for scband-embedding-29351806501632 (READ-ONLY COPY).

The authoritative reference and input builder live on the scoring server;
editing this copy changes nothing except your own understanding.
"""

import jax, jax.numpy as jnp
import numpy as np

VOCAB = 1000
EMBED_DIM = 64
BATCH = 16384

def setup_inputs(seed: int = 0):
    key = jax.random.key(seed)
    k1, k2 = jax.random.split(key)
    x = jax.random.randint(k1, (BATCH,), 0, VOCAB)
    W = jax.random.normal(k2, (EMBED_DIM, VOCAB), dtype=jnp.float32) * 0.02
    b = jnp.zeros((EMBED_DIM,), dtype=jnp.float32)
    return {"x": x, "W": W, "b": b}

def reference(x, W, b):
    # one_hot + Linear == embedding lookup of W columns plus bias
    oh = jax.nn.one_hot(x, VOCAB, dtype=jnp.float32)
    return oh @ W.T + b

if __name__ == "__main__":
    import jax
    _d = setup_inputs()
    print(jax.jit(kernel)(*tuple(_d.values())))

</pallas_src>

<mosaic_0001>
#map = affine_map<(d0, d1) -> (0, 0)>
#map1 = affine_map<(d0, d1) -> (0)>
module attributes {stable_mosaic.version = 14 : i64} {
  func.func @body(%arg0: i32, %arg1: i32, %arg2: memref<64x1000xf32, #tpu.memory_space<hbm>>, %arg3: memref<64xf32, #tpu.memory_space<hbm>>, %arg4: memref<16384xi32, #tpu.memory_space<hbm>>, %arg5: memref<64x16384xf32, #tpu.memory_space<hbm>>, %arg6: memref<8x1000xf32, #tpu.memory_space<vmem>>, %arg7: memref<64xf32, #tpu.memory_space<vmem>>, %arg8: memref<4096xi32, #tpu.memory_space<vmem>>, %arg9: memref<8x4096xf32, #tpu.memory_space<vmem>>, %arg10: memref<!tpu.dma_semaphore, #tpu.memory_space<semaphore_mem>>) attributes {dimension_semantics = [#tpu.dimension_semantics<core_parallel>, #tpu.dimension_semantics<subcore_parallel>], iteration_bounds = array<i64: 2, 16>, scalar_prefetch = 0 : i64, scratch_operands = 5 : i64, tpu.core_type = #tpu.core_type<sc_vector_subcore>, window_params = [{transform_indices = #map}, {transform_indices = #map1}, {transform_indices = #map1}, {transform_indices = #map}]} {
    %mul3A = arith.constant 2 : i32
    %mul3A_0 = arith.muli %arg1, %mul3A : i32
    %add3A = arith.addi %mul3A_0, %arg0 : i32
    %jit3A = arith.constant 4 : i32
    %div3A = arith.divsi %add3A, %jit3A : i32
    %sign3A = arith.constant 0 : i32
    %sign3A_1 = arith.cmpi sgt, %add3A, %sign3A : i32
    %sign3A_2 = arith.extui %sign3A_1 : i1 to i32
    %sign3A_3 = arith.constant 0 : i32
    %sign3A_4 = arith.cmpi slt, %add3A, %sign3A_3 : i32
    %sign3A_5 = arith.extui %sign3A_4 : i1 to i32
    %sign3A_6 = arith.subi %sign3A_2, %sign3A_5 : i32
    %sign3A_7 = arith.constant 0 : i32
    %sign3A_8 = arith.cmpi sgt, %jit3A, %sign3A_7 : i32
    %sign3A_9 = arith.extui %sign3A_8 : i1 to i32
    %sign3A_10 = arith.constant 0 : i32
    %sign3A_11 = arith.cmpi slt, %jit3A, %sign3A_10 : i32
    %sign3A_12 = arith.extui %sign3A_11 : i1 to i32
    %sign3A_13 = arith.subi %sign3A_9, %sign3A_12 : i32
    %ne3A = arith.cmpi ne, %sign3A_6, %sign3A_13 : i32
    %rem3A = arith.remsi %add3A, %jit3A : i32
    %ne3A_14 = arith.constant 0 : i32
    %ne3A_15 = arith.cmpi ne, %rem3A, %ne3A_14 : i32
    %and3A = arith.andi %ne3A, %ne3A_15 : i1
    %sub3A = arith.constant 1 : i32
    %sub3A_16 = arith.subi %div3A, %sub3A : i32
    %select_n3A = arith.select %and3A, %sub3A_16, %div3A : i32
    %jit3A_17 = arith.constant 4 : i32
    %eq3A = arith.constant 0 : i32
    %eq3A_18 = arith.cmpi eq, %jit3A_17, %eq3A : i32
    %jit3A_19 = arith.constant 1 : i32
    %select_n3A_20 = arith.select %eq3A_18, %jit3A_19, %jit3A_17 : i32
    %rem3A_21 = arith.remsi %add3A, %select_n3A_20 : i32
    %ne3A_22 = arith.constant 0 : i32
    %ne3A_23 = arith.cmpi ne, %rem3A_21, %ne3A_22 : i32
    %lt3A = arith.constant 0 : i32
    %lt3A_24 = arith.cmpi slt, %rem3A_21, %lt3A : i32
    %lt3A_25 = arith.constant 0 : i32
    %lt3A_26 = arith.cmpi slt, %select_n3A_20, %lt3A_25 : i32
    %ne3A_27 = arith.xori %lt3A_24, %lt3A_26 : i1
    %and3A_28 = arith.andi %ne3A_27, %ne3A_23 : i1
    %add3A_29 = arith.addi %rem3A_21, %select_n3A_20 : i32
    %select_n3A_30 = arith.select %and3A_28, %add3A_29, %rem3A_21 : i32
    %mul3A_31 = arith.constant 4096 : i32
    %mul3A_32 = arith.muli %select_n3A_30, %mul3A_31 : i32
    %dma_start3A = tpu.memref_slice %arg4[%mul3A_32] : memref<16384xi32, #tpu.memory_space<hbm>> -> memref<4096xi32, #tpu.memory_space<hbm>>
    %dma_start3A_33 = tpu.memref_slice %arg4[%mul3A_32] : memref<16384xi32, #tpu.memory_space<hbm>> -> memref<4096xi32, #tpu.memory_space<hbm>>
    tpu.enqueue_dma source(%dma_start3A_33 : memref<4096xi32, #tpu.memory_space<hbm>>) target(%arg8 : memref<4096xi32, #tpu.memory_space<vmem>>) target_semaphore(%arg10 : memref<!tpu.dma_semaphore, #tpu.memory_space<semaphore_mem>>)
    tpu.enqueue_dma source(%arg3 : memref<64xf32, #tpu.memory_space<hbm>>) target(%arg7 : memref<64xf32, #tpu.memory_space<vmem>>) target_semaphore(%arg10 : memref<!tpu.dma_semaphore, #tpu.memory_space<semaphore_mem>>)
    %mul3A_34 = arith.constant 8 : i32
    %mul3A_35 = arith.muli %select_n3A, %mul3A_34 : i32
    %dma_start3A_36 = arith.constant 0 : i32
    %dma_start3A_37 = tpu.memref_slice %arg2[%mul3A_35, %dma_start3A_36] : memref<64x1000xf32, #tpu.memory_space<hbm>> -> memref<8x1000xf32, #tpu.memory_space<hbm>>
    %dma_start3A_38 = arith.constant 0 : i32
    %dma_start3A_39 = tpu.memref_slice %arg2[%mul3A_35, %dma_start3A_38] : memref<64x1000xf32, #tpu.memory_space<hbm>> -> memref<8x1000xf32, #tpu.memory_space<hbm>>
    tpu.enqueue_dma source(%dma_start3A_39 : memref<8x1000xf32, #tpu.memory_space<hbm>>) target(%arg6 : memref<8x1000xf32, #tpu.memory_space<vmem>>) target_semaphore(%arg10 : memref<!tpu.dma_semaphore, #tpu.memory_space<semaphore_mem>>)
    %dma_wait3A = tpu.memref_slice %arg4[%mul3A_32] : memref<16384xi32, #tpu.memory_space<hbm>> -> memref<4096xi32, #tpu.memory_space<hbm>>
    %dma_wait3A_40 = tpu.memref_slice %arg4[%mul3A_32] : memref<16384xi32, #tpu.memory_space<hbm>> -> memref<4096xi32, #tpu.memory_space<hbm>>
    tpu.wait_dma2 semaphore(%arg10 : memref<!tpu.dma_semaphore, #tpu.memory_space<semaphore_mem>>) src(%dma_wait3A_40 : memref<4096xi32, #tpu.memory_space<hbm>>) dst(%arg8 : memref<4096xi32, #tpu.memory_space<vmem>>)
    tpu.wait_dma2 semaphore(%arg10 : memref<!tpu.dma_semaphore, #tpu.memory_space<semaphore_mem>>) src(%arg3 : memref<64xf32, #tpu.memory_space<hbm>>) dst(%arg7 : memref<64xf32, #tpu.memory_space<vmem>>)
    %dma_wait3A_41 = arith.constant 0 : i32
    %dma_wait3A_42 = tpu.memref_slice %arg2[%mul3A_35, %dma_wait3A_41] : memref<64x1000xf32, #tpu.memory_space<hbm>> -> memref<8x1000xf32, #tpu.memory_space<hbm>>
    %dma_wait3A_43 = arith.constant 0 : i32
    %dma_wait3A_44 = tpu.memref_slice %arg2[%mul3A_35, %dma_wait3A_43] : memref<64x1000xf32, #tpu.memory_space<hbm>> -> memref<8x1000xf32, #tpu.memory_space<hbm>>
    tpu.wait_dma2 semaphore(%arg10 : memref<!tpu.dma_semaphore, #tpu.memory_space<semaphore_mem>>) src(%dma_wait3A_44 : memref<8x1000xf32, #tpu.memory_space<hbm>>) dst(%arg6 : memref<8x1000xf32, #tpu.memory_space<vmem>>)
    %mul3A_45 = arith.constant 8 : i32
    %mul3A_46 = arith.muli %select_n3A, %mul3A_45 : i32
    %add3A_47 = arith.constant 0 : i32
    %add3A_48 = arith.addi %mul3A_46, %add3A_47 : i32
    %broadcast_in_dim3A = vector.broadcast %add3A_48 : i32 to vector<16xi32>
    %gather3A = tpu.vector_load_idx %arg7[%broadcast_in_dim3A] : memref<64xf32, #tpu.memory_space<vmem>>[vector<16xi32>], vector<16xf32>,
    %mul3A_49 = arith.constant 8 : i32
    %mul3A_50 = arith.muli %select_n3A, %mul3A_49 : i32
    %add3A_51 = arith.constant 1 : i32
    %add3A_52 = arith.addi %mul3A_50, %add3A_51 : i32
    %broadcast_in_dim3A_53 = vector.broadcast %add3A_52 : i32 to vector<16xi32>
    %gather3A_54 = tpu.vector_load_idx %arg7[%broadcast_in_dim3A_53] : memref<64xf32, #tpu.memory_space<vmem>>[vector<16xi32>], vector<16xf32>,
    %mul3A_55 = arith.constant 8 : i32
    %mul3A_56 = arith.muli %select_n3A, %mul3A_55 : i32
    %add3A_57 = arith.constant 2 : i32
    %add3A_58 = arith.addi %mul3A_56, %add3A_57 : i32
    %broadcast_in_dim3A_59 = vector.broadcast %add3A_58 : i32 to vector<16xi32>
    %gather3A_60 = tpu.vector_load_idx %arg7[%broadcast_in_dim3A_59] : memref<64xf32, #tpu.memory_space<vmem>>[vector<16xi32>], vector<16xf32>,
    %mul3A_61 = arith.constant 8 : i32
    %mul3A_62 = arith.muli %select_n3A, %mul3A_61 : i32
    %add3A_63 = arith.constant 3 : i32
    %add3A_64 = arith.addi %mul3A_62, %add3A_63 : i32
    %broadcast_in_dim3A_65 = vector.broadcast %add3A_64 : i32 to vector<16xi32>
    %gather3A_66 = tpu.vector_load_idx %arg7[%broadcast_in_dim3A_65] : memref<64xf32, #tpu.memory_space<vmem>>[vector<16xi32>], vector<16xf32>,
    %mul3A_67 = arith.constant 8 : i32
    %mul3A_68 = arith.muli %select_n3A, %mul3A_67 : i32
    %add3A_69 = arith.constant 4 : i32
    %add3A_70 = arith.addi %mul3A_68, %add3A_69 : i32
    %broadcast_in_dim3A_71 = vector.broadcast %add3A_70 : i32 to vector<16xi32>
    %gather3A_72 = tpu.vector_load_idx %arg7[%broadcast_in_dim3A_71] : memref<64xf32, #tpu.memory_space<vmem>>[vector<16xi32>], vector<16xf32>,
    %mul3A_73 = arith.constant 8 : i32
    %mul3A_74 = arith.muli %select_n3A, %mul3A_73 : i32
    %add3A_75 = arith.constant 5 : i32
    %add3A_76 = arith.addi %mul3A_74, %add3A_75 : i32
    %broadcast_in_dim3A_77 = vector.broadcast %add3A_76 : i32 to vector<16xi32>
    %gather3A_78 = tpu.vector_load_idx %arg7[%broadcast_in_dim3A_77] : memref<64xf32, #tpu.memory_space<vmem>>[vector<16xi32>], vector<16xf32>,
    %mul3A_79 = arith.constant 8 : i32
    %mul3A_80 = arith.muli %select_n3A, %mul3A_79 : i32
    %add3A_81 = arith.constant 6 : i32
    %add3A_82 = arith.addi %mul3A_80, %add3A_81 : i32
    %broadcast_in_dim3A_83 = vector.broadcast %add3A_82 : i32 to vector<16xi32>
    %gather3A_84 = tpu.vector_load_idx %arg7[%broadcast_in_dim3A_83] : memref<64xf32, #tpu.memory_space<vmem>>[vector<16xi32>], vector<16xf32>,
    %mul3A_85 = arith.constant 8 : i32
    %mul3A_86 = arith.muli %select_n3A, %mul3A_85 : i32
    %add3A_87 = arith.constant 7 : i32
    %add3A_88 = arith.addi %mul3A_86, %add3A_87 : i32
    %broadcast_in_dim3A_89 = vector.broadcast %add3A_88 : i32 to vector<16xi32>
    %gather3A_90 = tpu.vector_load_idx %arg7[%broadcast_in_dim3A_89] : memref<64xf32, #tpu.memory_space<vmem>>[vector<16xi32>], vector<16xf32>,
    %broadcast_in_dim3A_91 = arith.constant 0 : i32
    %broadcast_in_dim3A_92 = vector.broadcast %broadcast_in_dim3A_91 : i32 to vector<16xi32>
    %broadcast_in_dim3A_93 = arith.constant 1 : i32
    %broadcast_in_dim3A_94 = vector.broadcast %broadcast_in_dim3A_93 : i32 to vector<16xi32>
    %broadcast_in_dim3A_95 = arith.constant 2 : i32
    %broadcast_in_dim3A_96 = vector.broadcast %broadcast_in_dim3A_95 : i32 to vector<16xi32>
    %broadcast_in_dim3A_97 = arith.constant 3 : i32
    %broadcast_in_dim3A_98 = vector.broadcast %broadcast_in_dim3A_97 : i32 to vector<16xi32>
    %broadcast_in_dim3A_99 = arith.constant 4 : i32
    %broadcast_in_dim3A_100 = vector.broadcast %broadcast_in_dim3A_99 : i32 to vector<16xi32>
    %broadcast_in_dim3A_101 = arith.constant 5 : i32
    %broadcast_in_dim3A_102 = vector.broadcast %broadcast_in_dim3A_101 : i32 to vector<16xi32>
    %broadcast_in_dim3A_103 = arith.constant 6 : i32
    %broadcast_in_dim3A_104 = vector.broadcast %broadcast_in_dim3A_103 : i32 to vector<16xi32>
    %broadcast_in_dim3A_105 = arith.constant 7 : i32
    %broadcast_in_dim3A_106 = vector.broadcast %broadcast_in_dim3A_105 : i32 to vector<16xi32>
    %parallel_loop3A = arith.constant 0 : i32
    %parallel_loop3A_107 = arith.constant 256 : i32
    %parallel_loop3A_108 = arith.constant 1 : i32
    scf.for %parallel_loop3A_113 = %parallel_loop3A to %parallel_loop3A_107 step %parallel_loop3A_108  : i32 {
      %parallel_loop3A_114 = arith.constant 16 : i32
      %parallel_loop3A_115 = arith.muli %parallel_loop3A_113, %parallel_loop3A_114 : i32
      %parallel_loop3A_116 = arith.index_cast %parallel_loop3A_115 : i32 to index
      %parallel_loop3A_117 = tpu.vector_load %arg8[%parallel_loop3A_116] {strides = array<i32>} : memref<4096xi32, #tpu.memory_space<vmem>>, vector<16xi32>,
      %parallel_loop3A_118 = tpu.vector_load_idx %arg6[%broadcast_in_dim3A_92, %parallel_loop3A_117] : memref<8x1000xf32, #tpu.memory_space<vmem>>[vector<16xi32>, vector<16xi32>], vector<16xf32>,
      %parallel_loop3A_119 = arith.addf %parallel_loop3A_118, %gather3A : vector<16xf32>
      %parallel_loop3A_120 = arith.constant 0 : i32
      %parallel_loop3A_121 = arith.index_cast %parallel_loop3A_120 : i32 to index
      %parallel_loop3A_122 = arith.index_cast %parallel_loop3A_115 : i32 to index
      %parallel_loop3A_123 = tpu.vector_load %arg9[%parallel_loop3A_121, %parallel_loop3A_122] {strides = array<i32>} : memref<8x4096xf32, #tpu.memory_space<vmem>>, vector<16xf32>,
      tpu.vector_store %arg9[%parallel_loop3A_121, %parallel_loop3A_122], %parallel_loop3A_119 {strides = array<i32>} : memref<8x4096xf32, #tpu.memory_space<vmem>>, vector<16xf32>,
      %parallel_loop3A_124 = tpu.vector_load_idx %arg6[%broadcast_in_dim3A_94, %parallel_loop3A_117] : memref<8x1000xf32, #tpu.memory_space<vmem>>[vector<16xi32>, vector<16xi32>], vector<16xf32>,
      %parallel_loop3A_125 = arith.addf %parallel_loop3A_124, %gather3A_54 : vector<16xf32>
      %parallel_loop3A_126 = arith.constant 1 : i32
      %parallel_loop3A_127 = arith.index_cast %parallel_loop3A_126 : i32 to index
      %parallel_loop3A_128 = arith.index_cast %parallel_loop3A_115 : i32 to index
      %parallel_loop3A_129 = tpu.vector_load %arg9[%parallel_loop3A_127, %parallel_loop3A_128] {strides = array<i32>} : memref<8x4096xf32, #tpu.memory_space<vmem>>, vector<16xf32>,
      tpu.vector_store %arg9[%parallel_loop3A_127, %parallel_loop3A_128], %parallel_loop3A_125 {strides = array<i32>} : memref<8x4096xf32, #tpu.memory_space<vmem>>, vector<16xf32>,
      %parallel_loop3A_130 = tpu.vector_load_idx %arg6[%broadcast_in_dim3A_96, %parallel_loop3A_117] : memref<8x1000xf32, #tpu.memory_space<vmem>>[vector<16xi32>, vector<16xi32>], vector<16xf32>,
      %parallel_loop3A_131 = arith.addf %parallel_loop3A_130, %gather3A_60 : vector<16xf32>
      %parallel_loop3A_132 = arith.constant 2 : i32
      %parallel_loop3A_133 = arith.index_cast %parallel_loop3A_132 : i32 to index
      %parallel_loop3A_134 = arith.index_cast %parallel_loop3A_115 : i32 to index
      %parallel_loop3A_135 = tpu.vector_load %arg9[%parallel_loop3A_133, %parallel_loop3A_134] {strides = array<i32>} : memref<8x4096xf32, #tpu.memory_space<vmem>>, vector<16xf32>,
      tpu.vector_store %arg9[%parallel_loop3A_133, %parallel_loop3A_134], %parallel_loop3A_131 {strides = array<i32>} : memref<8x4096xf32, #tpu.memory_space<vmem>>, vector<16xf32>,
      %parallel_loop3A_136 = tpu.vector_load_idx %arg6[%broadcast_in_dim3A_98, %parallel_loop3A_117] : memref<8x1000xf32, #tpu.memory_space<vmem>>[vector<16xi32>, vector<16xi32>], vector<16xf32>,
      %parallel_loop3A_137 = arith.addf %parallel_loop3A_136, %gather3A_66 : vector<16xf32>
      %parallel_loop3A_138 = arith.constant 3 : i32
      %parallel_loop3A_139 = arith.index_cast %parallel_loop3A_138 : i32 to index
      %parallel_loop3A_140 = arith.index_cast %parallel_loop3A_115 : i32 to index
      %parallel_loop3A_141 = tpu.vector_load %arg9[%parallel_loop3A_139, %parallel_loop3A_140] {strides = array<i32>} : memref<8x4096xf32, #tpu.memory_space<vmem>>, vector<16xf32>,
      tpu.vector_store %arg9[%parallel_loop3A_139, %parallel_loop3A_140], %parallel_loop3A_137 {strides = array<i32>} : memref<8x4096xf32, #tpu.memory_space<vmem>>, vector<16xf32>,
      %parallel_loop3A_142 = tpu.vector_load_idx %arg6[%broadcast_in_dim3A_100, %parallel_loop3A_117] : memref<8x1000xf32, #tpu.memory_space<vmem>>[vector<16xi32>, vector<16xi32>], vector<16xf32>,
      %parallel_loop3A_143 = arith.addf %parallel_loop3A_142, %gather3A_72 : vector<16xf32>
      %parallel_loop3A_144 = arith.constant 4 : i32
      %parallel_loop3A_145 = arith.index_cast %parallel_loop3A_144 : i32 to index
      %parallel_loop3A_146 = arith.index_cast %parallel_loop3A_115 : i32 to index
      %parallel_loop3A_147 = tpu.vector_load %arg9[%parallel_loop3A_145, %parallel_loop3A_146] {strides = array<i32>} : memref<8x4096xf32, #tpu.memory_space<vmem>>, vector<16xf32>,
      tpu.vector_store %arg9[%parallel_loop3A_145, %parallel_loop3A_146], %parallel_loop3A_143 {strides = array<i32>} : memref<8x4096xf32, #tpu.memory_space<vmem>>, vector<16xf32>,
      %parallel_loop3A_148 = tpu.vector_load_idx %arg6[%broadcast_in_dim3A_102, %parallel_loop3A_117] : memref<8x1000xf32, #tpu.memory_space<vmem>>[vector<16xi32>, vector<16xi32>], vector<16xf32>,
      %parallel_loop3A_149 = arith.addf %parallel_loop3A_148, %gather3A_78 : vector<16xf32>
      %parallel_loop3A_150 = arith.constant 5 : i32
      %parallel_loop3A_151 = arith.index_cast %parallel_loop3A_150 : i32 to index
      %parallel_loop3A_152 = arith.index_cast %parallel_loop3A_115 : i32 to index
      %parallel_loop3A_153 = tpu.vector_load %arg9[%parallel_loop3A_151, %parallel_loop3A_152] {strides = array<i32>} : memref<8x4096xf32, #tpu.memory_space<vmem>>, vector<16xf32>,
      tpu.vector_store %arg9[%parallel_loop3A_151, %parallel_loop3A_152], %parallel_loop3A_149 {strides = array<i32>} : memref<8x4096xf32, #tpu.memory_space<vmem>>, vector<16xf32>,
      %parallel_loop3A_154 = tpu.vector_load_idx %arg6[%broadcast_in_dim3A_104, %parallel_loop3A_117] : memref<8x1000xf32, #tpu.memory_space<vmem>>[vector<16xi32>, vector<16xi32>], vector<16xf32>,
      %parallel_loop3A_155 = arith.addf %parallel_loop3A_154, %gather3A_84 : vector<16xf32>
      %parallel_loop3A_156 = arith.constant 6 : i32
      %parallel_loop3A_157 = arith.index_cast %parallel_loop3A_156 : i32 to index
      %parallel_loop3A_158 = arith.index_cast %parallel_loop3A_115 : i32 to index
      %parallel_loop3A_159 = tpu.vector_load %arg9[%parallel_loop3A_157, %parallel_loop3A_158] {strides = array<i32>} : memref<8x4096xf32, #tpu.memory_space<vmem>>, vector<16xf32>,
      tpu.vector_store %arg9[%parallel_loop3A_157, %parallel_loop3A_158], %parallel_loop3A_155 {strides = array<i32>} : memref<8x4096xf32, #tpu.memory_space<vmem>>, vector<16xf32>,
      %parallel_loop3A_160 = tpu.vector_load_idx %arg6[%broadcast_in_dim3A_106, %parallel_loop3A_117] : memref<8x1000xf32, #tpu.memory_space<vmem>>[vector<16xi32>, vector<16xi32>], vector<16xf32>,
      %parallel_loop3A_161 = arith.addf %parallel_loop3A_160, %gather3A_90 : vector<16xf32>
      %parallel_loop3A_162 = arith.constant 7 : i32
      %parallel_loop3A_163 = arith.index_cast %parallel_loop3A_162 : i32 to index
      %parallel_loop3A_164 = arith.index_cast %parallel_loop3A_115 : i32 to index
      %parallel_loop3A_165 = tpu.vector_load %arg9[%parallel_loop3A_163, %parallel_loop3A_164] {strides = array<i32>} : memref<8x4096xf32, #tpu.memory_space<vmem>>, vector<16xf32>,
      tpu.vector_store %arg9[%parallel_loop3A_163, %parallel_loop3A_164], %parallel_loop3A_161 {strides = array<i32>} : memref<8x4096xf32, #tpu.memory_space<vmem>>, vector<16xf32>,
    } {sc.loop_unroll_factor = 4 : i64, sc.parallel_access}
    %mul3A_109 = arith.constant 8 : i32
    %mul3A_110 = arith.muli %select_n3A, %mul3A_109 : i32
    %mul3A_111 = arith.constant 4096 : i32
    %mul3A_112 = arith.muli %select_n3A_30, %mul3A_111 : i32
    "tpu.region"() ({
      %run_scoped3A = tpu.sem_alloc : memref<!tpu.dma_semaphore, #tpu.memory_space<semaphore_mem>>
      %dma_start3A_113 = tpu.memref_slice %arg5[%mul3A_110, %mul3A_112] : memref<64x16384xf32, #tpu.memory_space<hbm>> -> memref<8x4096xf32, #tpu.memory_space<hbm>>
      %dma_start3A_114 = tpu.memref_slice %arg5[%mul3A_110, %mul3A_112] : memref<64x16384xf32, #tpu.memory_space<hbm>> -> memref<8x4096xf32, #tpu.memory_space<hbm>>
      tpu.enqueue_dma source(%arg9 : memref<8x4096xf32, #tpu.memory_space<vmem>>) target(%dma_start3A_114 : memref<8x4096xf32, #tpu.memory_space<hbm>>) target_semaphore(%run_scoped3A : memref<!tpu.dma_semaphore, #tpu.memory_space<semaphore_mem>>)
      %dma_wait3A_115 = tpu.memref_slice %arg5[%mul3A_110, %mul3A_112] : memref<64x16384xf32, #tpu.memory_space<hbm>> -> memref<8x4096xf32, #tpu.memory_space<hbm>>
      %dma_wait3A_116 = tpu.memref_slice %arg5[%mul3A_110, %mul3A_112] : memref<64x16384xf32, #tpu.memory_space<hbm>> -> memref<8x4096xf32, #tpu.memory_space<hbm>>
      tpu.wait_dma2 semaphore(%run_scoped3A : memref<!tpu.dma_semaphore, #tpu.memory_space<semaphore_mem>>) src(%arg9 : memref<8x4096xf32, #tpu.memory_space<vmem>>) dst(%dma_wait3A_116 : memref<8x4096xf32, #tpu.memory_space<hbm>>)
      tpu.yield
    }) : () -> ()
    return
  }
}

</mosaic_0001>

<sc_bundles>
// kernel: kernel.3.cloned.1.call-start
scs
__scs_entry_jumppad:
0x0: {  	(pc) =	sbr.rel $0x88, $3  }
0x1: {  	(tag) =	ssettag $0x0;
	lr =	simm.s32 $0x1  }
0x2: {  	[smem:$0x3F9E] =	sst lr;
	_ =	strace $0xD0000000  }
0x3: {  	_ = 	snop  }
0x4: {  	_ = 	snop  }
0x5: {  	_ = 	snop  }
0x6: {  	_ = 	snop  }
0x7: {  	_ = 	snop  }
__scs_overlays_trampoline_lowered:
0x8: {  	[smem:$0x3FAD] =	sst s0  }
0x9: {  	[smem:$0x3FAE] =	sst s1  }
0xa: {  	[smem:$0x3FAF] =	sst s2  }
0xb: {  	[smem:$0x3FB0] =	sst s3  }
0xc: {  	[smem:$0x3FB1] =	sst s4  }
0xd: {  	[smem:$0x3FB2] =	sst s5  }
0xe: {  	[smem:$0x3FB3] =	sst s6  }
0xf: {  	[smem:$0x3FB4] =	sst s7  }
0x10: {  	[smem:$0x3FB5] =	sst s8  }
0x11: {  	[smem:$0x3FB6] =	sst s9;
	s0 =	simm.s32 @!p0 $0x0  }
0x12: {  	s1 =	sld [smem:$0x3F9C];
	s0 =	simm.s32 @p0 $0x1  }
0x13: {  	[smem:$0x3FB7] =	sst s0;
	s0 =	simm.s32 @!p1 $0x0  }
0x14: {  	s2 =	sld [smem:$0x3F9B];
	s0 =	simm.s32 @p1 $0x1  }
0x15: {  	[smem:$0x3FB8] =	sst s0;
	s0 =	simm.s32 @!p2 $0x0  }
0x16: {  	s3 =	sld [smem:$0x3FDB];
	s0 =	simm.s32 @p2 $0x1  }
0x17: {  	s4 =	simm.s32 $0x1BF5;
	[smem:$0x3FBA] =	sst s0  }
0x18: {  	s0 =	sld [smem:$0x3F9D];
	_ =	swait.ge [sflag:s4], $0x0  }
0x19: {  	s7 =	sld [smem:$0x3F9E]  }
0x1a: {  	s8 =	sadd.s32 $0xFFFFE003, lr  }
0x1b: {  	s9 =	sadd.s32 $0xFFFFFEF7, lr;
	s5 =	simm.s32 $0xFFFFFFFF;
	p2 =	slt.u32 s8, $0xFFFFF086  }
0x1c: {  	p1 =	slt.u32 s9, $0xF7A;
	s5 =	simm.s32 @!p2 $0x0  }
0x1d: {  	s5 =	simm.s32 @p1 $0x1;
	p0 =	seq.s32 s7, s2  }
0x1e: {  	s7 =	smul.u32 @!p0 $0xF7A, s2;
	p2 =	seq.s32 @!p0 s5, $0x0  }
0x1f: {  	s9 =	smul.u32 $0xF7A, s1;
	s8 =	simm.s32 @!p0 $0x1BF5;
	p2 =	por !p2, p0  }
0x20: {  	[sflag:s8] =	ssyncset.s32 @!p0 $0xFFFFF086;
	s6 =	sadd.s32 @!p0 s3, s7;
	s7 =	simm.s32 @!p0 $0x108  }
0x21: {  	s3 =	sadd.s32 s3, s9;
	s6 =	sadd.s32 @!p0 $0x88, s6;
	s7 =	simm.s32 @p2 $0x1082  }
0x22: {  	[simem:s7], [sflag:s8] =	dma.local @!p0 [hbm:s6], $0xF7A  }
0x23: {  	s9 =	sor.u32 $0xD0000000, s2;
	s6 =	simm.s32 $0x108;
	_ =	swait.ge @!p0 [sflag:s8], $0x0  }
0x24: {  	s3 =	sadd.s32 $0x88, s3;
	s6 =	simm.s32 @!p1 $0x1082;
	[sflag:s4] =	ssyncset.s32 $0xFFFFF086  }
0x25: {  	[simem:s6], [sflag:s4] =	dma.local [hbm:s3], $0xF7A  }
0x26: {  	[smem:$0x3F9E] =	sst s1;
	(tag) =	ssettag s2;
	_ =	strace s9  }
0x27: {  	s1 =	sld [smem:$0x3FAE]  }
0x28: {  	s2 =	sld [smem:$0x3FAF]  }
0x29: {  	s4 =	sld [smem:$0x3FB1]  }
0x2a: {  	p0 =	seq.s32 s5, $0x0;
	s5 =	sld [smem:$0x3FB2]  }
0x2b: {  	s6 =	sld [smem:$0x3FB3]  }
0x2c: {  	s7 =	sld [smem:$0x3FB4]  }
0x2d: {  	s3 =	simm.s32 $0x108;
	s8 =	sld [smem:$0x3FB5]  }
0x2e: {  	s3 =	simm.s32 @!p0 $0x1082;
	s9 =	sld [smem:$0x3FB6]  }
0x2f: {  	lr =	sadd.s32 s0, s3;
	s0 =	sld [smem:$0x3FAD]  }
0x30: {  	s3 =	sld [smem:$0x3FB0]  }
0x31: {  	[smem:$0x3FB9] =	sst s10  }
0x32: {  	s10 =	sld [smem:$0x3FB7];
	_ =	sdelay $0x3  }
0x33: {  	p0 =	seq.s32 s10, $0x1;
	s10 =	sld [smem:$0x3FB9];
	_ =	sdelay $0x3  }
0x34: {  	[smem:$0x3FB9] =	sst s10  }
0x35: {  	s10 =	sld [smem:$0x3FB8];
	_ =	sdelay $0x3  }
0x36: {  	p1 =	seq.s32 s10, $0x1;
	s10 =	sld [smem:$0x3FB9];
	_ =	sdelay $0x3  }
0x37: {  	[smem:$0x3FB9] =	sst s10  }
0x38: {  	s10 =	sld [smem:$0x3FBA]  }
0x39: {  	_ = 	snop;
	(pc) =	sbr.ind lr, $3  }
0x3a: {  	_ = 	snop  }
0x3b: {  	_ = 	snop  }
0x3c: {  	p2 =	seq.s32 s10, $0x1;
	s10 =	sld [smem:$0x3FB9]  }
0x3d: {  	_ =	shalt  }
0x3e: {  	_ =	shalt  }
0x3f: {  	_ =	shalt  }
0x40: {  	_ =	shalt  }
0x41: {  	_ =	shalt  }
0x42: {  	_ =	shalt  }
0x43: {  	_ =	shalt  }
0x44: {  	_ =	shalt  }
0x45: {  	_ =	shalt  }
0x46: {  	_ =	shalt  }
0x47: {  	_ =	shalt  }
0x48: {  	_ =	shalt  }
0x49: {  	_ =	shalt  }
0x4a: {  	_ =	shalt  }
0x4b: {  	_ =	shalt  }
0x4c: {  	_ =	shalt  }
0x4d: {  	_ =	shalt  }
0x4e: {  	_ =	shalt  }
0x4f: {  	_ =	shalt  }
0x50: {  	_ =	shalt  }
0x51: {  	_ =	shalt  }
0x52: {  	_ =	shalt  }
0x53: {  	_ =	shalt  }
0x54: {  	_ =	shalt  }
0x55: {  	_ =	shalt  }
0x56: {  	_ =	shalt  }
0x57: {  	_ =	shalt  }
0x58: {  	_ =	shalt  }
0x59: {  	_ =	shalt  }
0x5a: {  	_ =	shalt  }
0x5b: {  	_ =	shalt  }
0x5c: {  	_ =	shalt  }
0x5d: {  	_ =	shalt  }
0x5e: {  	_ =	shalt  }
0x5f: {  	_ =	shalt  }
0x60: {  	_ =	shalt  }
0x61: {  	_ =	shalt  }
0x62: {  	_ =	shalt  }
0x63: {  	_ =	shalt  }
0x64: {  	_ =	shalt  }
0x65: {  	_ =	shalt  }
0x66: {  	_ =	shalt  }
0x67: {  	_ =	shalt  }
0x68: {  	_ =	shalt  }
0x69: {  	_ =	shalt  }
0x6a: {  	_ =	shalt  }
0x6b: {  	_ =	shalt  }
0x6c: {  	_ =	shalt  }
0x6d: {  	_ =	shalt  }
0x6e: {  	_ =	shalt  }
0x6f: {  	_ =	shalt  }
0x70: {  	_ =	shalt  }
0x71: {  	_ =	shalt  }
0x72: {  	_ =	shalt  }
0x73: {  	_ =	shalt  }
0x74: {  	_ =	shalt  }
0x75: {  	_ =	shalt  }
0x76: {  	_ =	shalt  }
0x77: {  	_ =	shalt  }
0x78: {  	_ =	shalt  }
0x79: {  	_ =	shalt  }
0x7a: {  	_ =	shalt  }
0x7b: {  	_ =	shalt  }
0x7c: {  	_ =	shalt  }
0x7d: {  	_ =	shalt  }
0x7e: {  	_ =	shalt  }
0x7f: {  	_ =	shalt  }
0x80: {  	_ =	shalt  }
0x81: {  	_ =	shalt  }
0x82: {  	_ =	shalt  }
0x83: {  	_ =	shalt  }
0x84: {  	_ =	shalt  }
0x85: {  	_ =	shalt  }
0x86: {  	_ =	shalt  }
0x87: {  	_ =	shalt  }
.Lfunc_end0:
.L_simem_size_0:
called_computation_lowered:
.L_overlay_start_0:
0x88: {  	s2 =	sld [smem:$0x3FD9]  }
0x89: {  	s3 =	sld [smem:$0x3FFE];
	_ =	sdelay $0x1  }
0x8a: {  	s1 =	srdreg.scid  }
0x8b: {  	s0 =	sand.u32 $0x1, s1  }
0x8c: {  	s18 =	sshll.u32 s0, $0xA;
	s2 =	sadd.s32 s3, s2  }
0x8d: {  	s2 =	sadd.s32 s2, s18  }
0x8e: {  	[smem:$0x3FC5] =	sst s2  }
0x8f: {  	_ = 	snop  }
0x90: {  	s2 =	sld [smem:$0x3FC9]  }
0x91: {  	s19 =	sld [smem:$0x3FC8]  }
0x92: {  	s4 =	sld [smem:$0x3FC7]  }
0x93: {  	s5 =	sld [smem:$0x3FD0];
	(tm) =	ssettm $0x1  }
0x94: {  	s6 =	sld [smem:$0x3FFB];
	_ =	sdelay $0x3  }
0x95: {  	_ =	strace s6  }
0x96: {  	s6 =	sld [smem:$0x3FFC];
	_ =	sdelay $0x3  }
0x97: {  	_ =	strace s6  }
0x98: {  	s6 =	sld [smem:$0x3FFD];
	_ =	sdelay $0x3  }
0x99: {  	_ =	strace s6  }
0x9a: {  	_ =	strace $0x8FFFFFFF  }
0x9b: {  	s20 =	sld [smem:$0x3FDB];
	_ =	sdelay $0x1  }
0x9c: {  	s7 =	simm.s32 $_scs_section_size  }
0x9d: {  	s8 =	simm.s32 $_size__tile_overlayer_lowered;
	s9 =	simm.s32 $_tile_overlayer_lowered  }
0x9e: {  	s23 =	simm.s32 $0x1BFF;
	s22 =	sshll.u32 s9, $0x1;
	s6 =	sadd.s32 s7, s20  }
0x9f: {  	s10 =	simm.s32 $0x0;
	s21 =	sshll.u32 s8, $0x1;
	s8 =	sadd.s32 s22, s6  }
0xa0: {  	[timem:s10], [sflag:s23] =	dma.local [hbm:s8], s21  }
0xa1: {  	_ =	swait.ge [sflag:s23], s21  }
0xa2: {  	s7 =	ssub.s32 $0x0, s21;
	[sflag:s23] =	ssyncset.done $0x0  }
0xa3: {  	[sflag:s23] =	ssyncadd.s32 s7;
	_ =	sdelay $0x1  }
0xa4: {  	s24 =	simm.s32 $0x1B8B  }
0xa5: {  	_ =	swait.ge [sflag:s24], $0x1  }
0xa6: {  	[sflag:s24] =	ssyncset.done $0x0  }
0xa7: {  	s25 =	simm.s32 $0x1B8E;
	[sflag:s24] =	ssyncadd.s32 $0xFFFFFFFF  }
0xa8: {  	s26 =	simm.s32 $execute0_lowered;
	[smem:$0x3FD2] =	sst s25  }
0xa9: {  	s7 =	sshll.u32 s26, $0x1;
	_ =	strace $0x80000046;
	[dreg:$0x1] =	wrdreg $0xFFFFFFFF  }
0xaa: {  	s28 =	simm.s32 $_size_execute0_lowered;
	s6 =	sadd.s32 s6, s7;
	[dreg:$0x0] =	wrdreg $0x0  }
0xab: {  	s7 =	sshll.u32 s28, $0x1;
	[dreg:$0x2] =	wrdreg s6  }
0xac: {  	[dreg:$0x3] =	wrdreg s7  }
0xad: {  	[dreg:$0x4] =	wrdreg $0xC0  }
0xae: {  	_ =	task [dreg:s10], $0x5FFFF  }
0xaf: {  	[dreg:$0x1] =	wrdreg $0xFFFFFFFF  }
0xb0: {  	[dreg:$0x0] =	wrdreg $0x60  }
0xb1: {  	[dreg:$0x2] =	wrdreg s19  }
0xb2: {  	[dreg:$0x3] =	wrdreg s4  }
0xb3: {  	[dreg:$0x4] =	wrdreg s2  }
0xb4: {  	[dreg:$0x5] =	wrdreg s5  }
0xb5: {  	[dreg:$0x6] =	wrdreg $0x9  }
0xb6: {  	_ =	task.clear_ibuf [dreg:s10], $0x7FFFF;
	_ =	strace $0x90000046  }
0xb7: {  	s29 =	simm.s32 $0x9;
	_ =	strace $0x80000048  }
0xb8: {  	_ =	swait.ge [sflag:s29], $0x1  }
0xb9: {  	[sflag:s29] =	ssyncadd.s32 $0xFFFFFFFF  }
0xba: {  	_ =	strace $0x90000048  }
0xbb: {  	_ =	sfence  }
0xbc: {  	s30 =	sld [smem:$0x0];
	_ =	sdelay $0x2  }
0xbd: {  	s31 =	sshll.u32 s1, $0xD;
	s1 =	sshrl.u32 s1, $0x2  }
0xbe: {  	s3 =	sand.u32 $0x4000, s31;
	s1 =	sadd.s32 s1, s30  }
0xbf: {  	s0 =	sor.u32 s3, s0;
	s1 =	sshll.u32 s1, $0x11  }
0xc0: {  	s0 =	sor.u32 s1, s0  }
0xc1: {  	s0 =	sadd.s32 $0x8F2B, s0  }
0xc2: {  	[sflag:s0] =	ssyncadd.remote.s32 $0x1  }
0xc3: {  	_ =	sfence.sel $0xFFFF  }
0xc4: {  	[dreg:$0x0] =	wrdreg $0xFFFFFFFF;
	(pc) =	sbr.abs _section_cstart, $3  }
0xc5: {  	[dreg:$0x1] =	wrdreg $0xFFFFFFFF  }
0xc6: {  	_ =	task.clear_ibuf [dreg:s10], $0x2FFFF;
	_ =	strace $0x9FFFFFFF  }
0xc7: {  	(tm) =	ssettm $0x7FFFFFFF  }
tec
execute0_lowered:
.L_overlay_start_1:
0x0: {  	(tag) =	ssettag $0x1  }
0x1: {  	s0 =	rddreg [dreg:$0x0]  }
0x2: {  	s1 =	rddreg [dreg:$0x2]  }
0x3: {  	s2 =	rddreg [dreg:$0x3]  }
0x4: {  	s4 =	srdreg.scid;
	s9 =	stileid.u32  }
0x5: {  	s3 =	simm.s32 $0x0;
	s11 =	simm.s32 $0x2;
	s12 =	simm.s32 $0x0  }
0x6: {  	s4 =	sand.u32 $0x1, s4;
	s5 =	sshll.u32 s9, $0x1;
	[smem:$0x7FF] =	sst s3  }
0x7: {  	s19 =	sshrl.u32 s9, $0x1;
	s6 =	ssub.s32 $0x2, s4;
	s5 =	sand.u32 $0x2, s5  }
0x8: {  	_ =	strace $0x80000047;
	s20 =	sshll.u32 s19, $0x3;
	s21 =	sshll.u32 s19, $0xA  }
0x9: {  	s25 =	sshll.u32 s19, $0xE;
	s7 =	sshrl.u32 s6, $0x1;
	s8 =	sor.u32 s4, s5  }
0xa: {  	s0 =	sadd.s32 s0, s21;
	s22 =	sor.u32 $0x1, s20;
	s23 =	sor.u32 $0x2, s20  }
0xb: {  	s24 =	sor.u32 $0x3, s20;
	s26 =	sor.u32 $0x4, s20;
	s2 =	sadd.s32 s2, s25  }
0xc: {  	v0 =	vmov s20;
	s28 =	sor.u32 $0x5, s20;
	s29 =	sor.u32 $0x6, s20;
	s4 =	sshll.u32 s8, $0x9;
	v1 =	vmov s22;
	v2 =	vmov s23  }
0xd: {  	[dreg:$0x6] =	wrdreg s0;
	s8 =	sshll.u32 s8, $0xC;
	v0 =	vbroadcast v0, $0x0;
	v3 =	vmov s24;
	v4 =	vmov s26;
	s1 =	sadd.s32 s1, s4  }
0xe: {  	s7 =	ssub.s32 s6, s7;
	v5 =	vmov s28;
	v1 =	vbroadcast v1, $0x0;
	v2 =	vbroadcast v2, $0x0;
	s2 =	sadd.s32 s8, s2;
	[dreg:$0x5] =	wrdreg s1  }
0xf: {  	s30 =	sshllo.u32 s19, $0x3;
	v6 =	vmov s29;
	v3 =	vbroadcast v3, $0x0;
	v4 =	vbroadcast v4, $0x0;
	s31 =	smax.u32 s7, $0x1;
	[dreg:$0x7] =	wrdreg s2  }
0x10: {  	s9 =	simm.s32 $0x1;
	v7 =	vmov s30;
	s8 =	simm.s32 $0x2000;
	v5 =	vbroadcast v5, $0x0;
	v6 =	vbroadcast v6, $0x0;
	[dreg:$0x8] =	wrdreg s31  }
.LBB2_1:
0x11: {  	s0 =	simm.s32 $0x2080;
	s1 =	rddreg [dreg:$0x5]  }
0x12: {  	[tilespmem:s0], [sflag:$0x1] =	stream.linear.gather [hbm4b:s1+s3], $0x1000, $0x38;
	[tilespmem:$0xB080] =	vst v63  }
0x13: {  	s17 =	rddreg [dreg:$0x1]  }
0x14: {  	[tilespmem:s8], [sflag:$0x1] =	stream.linear.gather [hbm4b:s17+s3], $0x80, $0x38;
	[tilespmem:$0xB080] =	vst v63  }
0x15: {  	s18 =	rddreg [dreg:$0x6]  }
0x16: {  	[tilespmem:s3], [sflag:$0x1] =	stream.linear.gather [hbm4b:s18+s3], $0x2000, $0x38;
	[tilespmem:$0xB080] =	vst v63  }
0x17: {  	_ =	swait.ge [sflag:s9], $0x1000  }
0x18: {  	[sflag:s9] =	ssyncset.done $0x0  }
0x19: {  	[sflag:s9] =	ssyncadd.s32 $0xFFFFF000  }
0x1a: {  	_ =	swait.ge [sflag:s9], $0x80  }
0x1b: {  	[sflag:s9] =	ssyncset.done $0x0  }
0x1c: {  	[sflag:s9] =	ssyncadd.s32 $0xFFFFFF80  }
0x1d: {  	s2 =	sand.u32 $0x40, s3;
	s19 =	sand.u32 $0xF80, s3;
	_ =	swait.ge [sflag:s9], $0x2000  }
0x1e: {  	s1 =	sadd.s32 $0x2080, s19;
	s10 =	sor.u32 $0x30, s2;
	[sflag:s9] =	ssyncset.done $0x0  }
0x1f: {  	s13 =	sor.u32 $0x10, s2;
	s14 =	sor.u32 s10, s1;
	[sflag:s9] =	ssyncadd.s32 $0xFFFFE000  }
0x20: {  	s15 =	sor.u32 s13, s1;
	v8 =	vld [tilespmem:s14+$0x0]  }
0x21: {  	s16 =	sor.u32 $0x20, s2;
	v9 =	vld [tilespmem:s15+$0x0]  }
0x22: {  	s1 =	sor.u32 s16, s1  }
0x23: {  	v10 =	vld [tilespmem:s1+$0x0];
	_ =	sdelay $0x1  }
0x24: {  	v16 =	vld [tilespmem:s0+$0x0];
	v11 =	vshll.u32 v8, $0x3  }
0x25: {  	v12 =	vshll.u32 v9, $0x3;
	v8 =	vand.u32 $0x7F, v8;
	v11 =	vand.u32 $0xFFFFFC00, v11  }
0x26: {  	v12 =	vand.u32 $0xFFFFFC00, v12;
	v19 =	vor.u32 v8, v11;
	v8 =	vand.u32 $0x7F, v9  }
0x27: {  	v15 =	vld.idx.msk [tilespmem:v0+s8+$0x0], $0xffff;
	v13 =	vshll.u32 v10, $0x3;
	v18 =	vor.u32 v8, v12  }
0x28: {  	v14 =	vld.idx.msk [tilespmem:v1+s8+$0x0], $0xffff;
	v9 =	vand.u32 $0xFFFFFC00, v13;
	v8 =	vand.u32 $0x7F, v10  }
0x29: {  	v13 =	vld.idx.msk [tilespmem:v2+s8+$0x0], $0xffff;
	v20 =	vor.u32 v8, v9;
	v8 =	vshll.u32 v16, $0x3  }
0x2a: {  	v11 =	vld.idx.msk [tilespmem:v4+s8+$0x0], $0xffff;
	v9 =	vand.u32 $0x7F, v16;
	v8 =	vand.u32 $0xFFFFFC00, v8  }
0x2b: {  	v21 =	vor.u32 v9, v8;
	v8 =	vld.idx.msk [tilespmem:v19+s3+$0x0], $0xffff  }
0x2c: {  	v16 =	vld.idx.msk [tilespmem:v18+s3+$0x0], $0xffff  }
0x2d: {  	v12 =	vld.idx.msk [tilespmem:v3+s8+$0x0], $0xffff  }
0x2e: {  	v22 =	vor.u32 $0x80, v19;
	v17 =	vld.idx.msk [tilespmem:v20+s3+$0x0], $0xffff  }
0x2f: {  	s20 =	sand.u32 $0x7C00, s3;
	v10 =	vld.idx.msk [tilespmem:v5+s8+$0x0], $0xffff;
	v23 =	vor.u32 $0x80, v18  }
0x30: {  	s0 =	sadd.s32 $0x3080, s20;
	v24 =	vld.idx.msk [tilespmem:v21+s3+$0x0], $0xffff;
	v26 =	vadd.f32 v8, v15  }
0x31: {  	s21 =	sor.u32 s10, s0;
	v25 =	vor.u32 $0x80, v20;
	v9 =	vld.idx.msk [tilespmem:v6+s8+$0x0], $0xffff;
	v16 =	vadd.f32 v16, v15  }
0x32: {  	s22 =	sor.u32 s13, s0;
	v8 =	vld.idx.msk [tilespmem:v7+s8+$0x0], $0xffff;
	[tilespmem:s21+$0x0] =	vst v26  }
0x33: {  	v17 =	vadd.f32 v17, v15;
	v26 =	vor.u32 $0x80, v21;
	v22 =	vld.idx.msk [tilespmem:v22+s3+$0x0], $0xffff;
	[tilespmem:s22+$0x0] =	vst v16  }
0x34: {  	s23 =	sor.u32 s16, s0;
	v16 =	vld.idx.msk [tilespmem:v23+s3+$0x0], $0xffff  }
0x35: {  	[tilespmem:s23+$0x0] =	vst v17;
	v17 =	vadd.f32 v24, v15  }
0x36: {  	s2 =	sor.u32 s2, s0;
	v24 =	vor.u32 $0x100, v19;
	v23 =	vld.idx.msk [tilespmem:v25+s3+$0x0], $0xffff  }
0x37: {  	v25 =	vor.u32 $0x100, v18;
	[tilespmem:s2+$0x0] =	vst v17  }
0x38: {  	v26 =	vld.idx.msk [tilespmem:v26+s3+$0x0], $0xffff;
	v22 =	vadd.f32 v22, v14  }
0x39: {  	s24 =	simm.s32 $0x20C0;
	s25 =	simm.s32 $0x40;
	v17 =	vor.u32 $0x100, v20;
	v16 =	vadd.f32 v16, v14  }
0x3a: {  	s26 =	sand.u32 $0x40, s25;
	v27 =	vld [tilespmem:s24+$0x0];
	s13 =	sand.u32 $0xF80, s25;
	[tilespmem:s21+$0x80] =	vst v22  }
0x3b: {  	s4 =	sor.u32 $0x30, s26;
	s17 =	sadd.s32 $0x2080, s13;
	v22 =	vadd.f32 v23, v14;
	v24 =	vld.idx.msk [tilespmem:v24+s3+$0x0], $0xffff;
	[tilespmem:s22+$0x80] =	vst v16  }
0x3c: {  	s6 =	sor.u32 s4, s17;
	v23 =	vor.u32 $0x100, v21;
	v16 =	vld.idx.msk [tilespmem:v25+s3+$0x0], $0xffff  }
0x3d: {  	s5 =	sor.u32 $0x10, s26;
	[tilespmem:s23+$0x80] =	vst v22;
	v22 =	vadd.f32 v26, v14;
	v26 =	vld [tilespmem:s6+$0x0]  }
0x3e: {  	s7 =	sor.u32 $0x20, s26;
	s18 =	sor.u32 s5, s17;
	v25 =	vor.u32 $0x180, v19;
	v17 =	vld.idx.msk [tilespmem:v17+s3+$0x0], $0xffff  }
0x3f: {  	s17 =	sor.u32 s7, s17;
	[tilespmem:s2+$0x80] =	vst v22;
	v22 =	vld [tilespmem:s18+$0x0]  }
0x40: {  	v30 =	vld [tilespmem:s17+$0x0];
	v24 =	vadd.f32 v24, v13  }
0x41: {  	v31 =	vand.u32 $0x7F, v27;
	v27 =	vshll.u32 v27, $0x3;
	v23 =	vld.idx.msk [tilespmem:v23+s3+$0x0], $0xffff  }
0x42: {  	v28 =	vor.u32 $0x180, v18;
	v29 =	vor.u32 $0x180, v20;
	v32 =	vor.u32 $0x180, v21;
	[tilespmem:s21+$0x100] =	vst v24  }
0x43: {  	v24 =	vadd.f32 v16, v13;
	v17 =	vadd.f32 v17, v13;
	v16 =	vshll.u32 v26, $0x3;
	v33 =	vld.idx.msk [tilespmem:v25+s3+$0x0], $0xffff  }
0x44: {  	v26 =	vand.u32 $0x7F, v26;
	v25 =	vshll.u32 v22, $0x3;
	v16 =	vand.u32 $0xFFFFFC00, v16  }
0x45: {  	s25 =	simm.s32 $0x2100;
	v22 =	vand.u32 $0x7F, v22;
	v25 =	vand.u32 $0xFFFFFC00, v25;
	v16 =	vor.u32 v26, v16  }
0x46: {  	v44 =	vld [tilespmem:s25+$0x0];
	v23 =	vadd.f32 v23, v13;
	[tilespmem:s22+$0x100] =	vst v24;
	v24 =	vshll.u32 v30, $0x3;
	v25 =	vor.u32 v22, v25  }
0x47: {  	v26 =	vor.u32 $0x200, v19;
	[tilespmem:s23+$0x100] =	vst v17;
	v28 =	vld.idx.msk [tilespmem:v28+s3+$0x0], $0xffff;
	v17 =	vand.u32 $0xFFFFFC00, v24;
	v22 =	vand.u32 $0x7F, v30  }
0x48: {  	v27 =	vand.u32 $0xFFFFFC00, v27;
	[tilespmem:s2+$0x100] =	vst v23;
	v23 =	vld.idx.msk [tilespmem:v29+s3+$0x0], $0xffff;
	v24 =	vor.u32 v22, v17;
	v29 =	vadd.f32 v33, v12  }
0x49: {  	v17 =	vor.u32 v31, v27;
	v22 =	vld.idx.msk [tilespmem:v32+s3+$0x0], $0xffff  }
0x4a: {  	v27 =	vor.u32 $0x200, v18;
	[tilespmem:s21+$0x180] =	vst v29;
	v29 =	vld.idx.msk [tilespmem:v16+s3+$0x0], $0xffff  }
0x4b: {  	v30 =	vor.u32 $0x200, v20;
	v40 =	vld.idx.msk [tilespmem:v25+s3+$0x0], $0xffff  }
0x4c: {  	v31 =	vor.u32 $0x200, v21;
	v28 =	vadd.f32 v28, v12;
	v26 =	vld.idx.msk [tilespmem:v26+s3+$0x0], $0xffff  }
0x4d: {  	p0 =	por $0x0, $0x0;
	s14 =	simm.s32 $0x1;
	s18 =	simm.s32 $0x200;
	v34 =	vor.u32 $0x80, v16;
	v23 =	vadd.f32 v23, v12;
	v41 =	vld.idx.msk [tilespmem:v24+s3+$0x0], $0xffff  }
0x4e: {  	s14 =	simm.s32 @!p0 $0x0;
	s19 =	sand.u32 $0x7C00, s18;
	v36 =	vor.u32 $0x80, v25;
	v35 =	vld.idx.msk [tilespmem:v17+s3+$0x0], $0xffff;
	v22 =	vadd.f32 v22, v12;
	[tilespmem:s22+$0x180] =	vst v28  }
0x4f: {  	s14 =	sshll.u32 s14, $0x6;
	s20 =	sadd.s32 $0x3080, s19;
	v28 =	vor.u32 $0x280, v19;
	[tilespmem:s23+$0x180] =	vst v23;
	v23 =	vld.idx.msk [tilespmem:v27+s3+$0x0], $0xffff;
	v27 =	vadd.f32 v29, v15  }
0x50: {  	s14 =	sadd.s32 $0x0, s14;
	s17 =	sor.u32 s4, s20;
	[tilespmem:s2+$0x180] =	vst v22;
	v22 =	vld.idx.msk [tilespmem:v30+s3+$0x0], $0xffff;
	v29 =	vor.u32 $0x80, v24;
	v32 =	vadd.f32 v40, v15  }
0x51: {  	s18 =	sadd.s32 $0x30, s14;
	s15 =	sor.u32 s5, s20;
	v30 =	vld.idx.msk [tilespmem:v31+s3+$0x0], $0xffff;
	v31 =	vor.u32 $0x80, v17;
	v26 =	vadd.f32 v26, v11;
	[tilespmem:s17+$0x0] =	vst v27  }
0x52: {  	s21 =	sor.u32 $0x200, s18;
	v33 =	vadd.f32 v41, v15;
	v27 =	vor.u32 $0x280, v18;
	[tilespmem:s15+$0x0] =	vst v32;
	v34 =	vld.idx.msk [tilespmem:v34+s3+$0x0], $0xffff  }
0x53: {  	s13 =	simm.s32 $0x80;
	s16 =	sor.u32 s7, s20;
	v35 =	vadd.f32 v35, v15;
	[tilespmem:s21+$0x3080] =	vst v26;
	v32 =	vld.idx.msk [tilespmem:v36+s3+$0x0], $0xffff  }
0x54: {  	s1 =	sand.u32 $0x40, s13;
	s10 =	sor.u32 s26, s20;
	s2 =	sadd.s32 $0x10, s14;
	v26 =	vor.u32 $0x280, v20;
	v23 =	vadd.f32 v23, v11;
	[tilespmem:s16+$0x0] =	vst v33;
	v28 =	vld.idx.msk [tilespmem:v28+s3+$0x0], $0xffff  }
0x55: {  	s0 =	sadd.s32 $0x20, s14;
	v42 =	vor.u32 $0x280, v21;
	s20 =	sand.u32 $0xF80, s13;
	s22 =	sor.u32 $0x200, s2;
	[tilespmem:s10+$0x0] =	vst v35;
	v22 =	vadd.f32 v22, v11;
	v29 =	vld.idx.msk [tilespmem:v29+s3+$0x0], $0xffff  }
0x56: {  	v43 =	vor.u32 $0x100, v16;
	s23 =	sor.u32 $0x200, s0;
	s21 =	sor.u32 $0x30, s1;
	v31 =	vld.idx.msk [tilespmem:v31+s3+$0x0], $0xffff;
	[tilespmem:s22+$0x3080] =	vst v23;
	s22 =	sadd.s32 $0x2080, s20  }
0x57: {  	v30 =	vadd.f32 v30, v11;
	[tilespmem:s23+$0x3080] =	vst v22;
	v22 =	vor.u32 $0x300, v19;
	s23 =	sor.u32 s21, s22;
	v23 =	vld.idx.msk [tilespmem:v27+s3+$0x0], $0xffff  }
0x58: {  	s24 =	sor.u32 $0x200, s14;
	v27 =	vor.u32 $0x100, v25;
	v47 =	vld [tilespmem:s23+$0x0];
	v34 =	vadd.f32 v34, v14  }
0x59: {  	[tilespmem:s24+$0x3080] =	vst v30;
	v30 =	vor.u32 $0x100, v24;
	v26 =	vld.idx.msk [tilespmem:v26+s3+$0x0], $0xffff;
	v28 =	vadd.f32 v28, v10  }
0x5a: {  	s26 =	sor.u32 $0x280, s18;
	v33 =	vld.idx.msk [tilespmem:v42+s3+$0x0], $0xffff;
	v32 =	vadd.f32 v32, v14;
	[tilespmem:s17+$0x80] =	vst v34  }
0x5b: {  	v37 =	vor.u32 $0x100, v17;
	v29 =	vadd.f32 v29, v14;
	v35 =	vld.idx.msk [tilespmem:v43+s3+$0x0], $0xffff;
	[tilespmem:s26+$0x3080] =	vst v28  }
0x5c: {  	v45 =	vor.u32 $0x300, v18;
	[tilespmem:s15+$0x80] =	vst v32;
	v28 =	vadd.f32 v31, v14;
	v22 =	vld.idx.msk [tilespmem:v22+s3+$0x0], $0xffff  }
0x5d: {  	s20 =	sor.u32 $0x10, s1;
	v27 =	vld.idx.msk [tilespmem:v27+s3+$0x0], $0xffff;
	[tilespmem:s16+$0x80] =	vst v29  }
0x5e: {  	s24 =	sor.u32 s20, s22;
	v23 =	vadd.f32 v23, v10;
	[tilespmem:s10+$0x80] =	vst v28;
	v28 =	vld.idx.msk [tilespmem:v30+s3+$0x0], $0xffff;
	v30 =	vor.u32 $0x180, v16  }
0x5f: {  	v49 =	vand.u32 $0x7F, v44;
	s19 =	sor.u32 $0x280, s2;
	v19 =	vor.u32 $0x380, v19;
	v39 =	vld [tilespmem:s24+$0x0]  }
0x60: {  	v48 =	vor.u32 $0x380, v18;
	v46 =	vor.u32 $0x180, v25;
	v29 =	vld.idx.msk [tilespmem:v37+s3+$0x0], $0xffff;
	[tilespmem:s19+$0x3080] =	vst v23;
	s19 =	sor.u32 $0x20, s1;
	v35 =	vadd.f32 v35, v13  }
0x61: {  	v38 =	vor.u32 $0x180, v24;
	v31 =	vor.u32 $0x300, v20;
	v23 =	vld.idx.msk [tilespmem:v45+s3+$0x0], $0xffff;
	s22 =	sor.u32 s19, s22;
	v18 =	vadd.f32 v22, v9  }
0x62: {  	s4 =	sor.u32 $0x300, s18;
	v40 =	vor.u32 $0x180, v17;
	v22 =	vadd.f32 v26, v10;
	v26 =	vld [tilespmem:s22+$0x0];
	v27 =	vadd.f32 v27, v13;
	[tilespmem:s17+$0x100] =	vst v35  }
0x63: {  	v36 =	vshll.u32 v44, $0x3;
	v34 =	vand.u32 $0x7F, v47;
	v33 =	vadd.f32 v33, v10;
	v30 =	vld.idx.msk [tilespmem:v30+s3+$0x0], $0xffff;
	[tilespmem:s4+$0x3080] =	vst v18  }
0x64: {  	s5 =	sor.u32 $0x280, s0;
	v52 =	vand.u32 $0x7F, v39;
	v28 =	vadd.f32 v28, v13;
	[tilespmem:s15+$0x100] =	vst v27;
	v27 =	vor.u32 $0x300, v21;
	v50 =	vld.idx.msk [tilespmem:v19+s3+$0x0], $0xffff  }
0x65: {  	v18 =	vand.u32 $0xFFFFFC00, v36;
	v29 =	vadd.f32 v29, v13;
	[tilespmem:s5+$0x3080] =	vst v22;
	v19 =	vshll.u32 v47, $0x3;
	v32 =	vld.idx.msk [tilespmem:v46+s3+$0x0], $0xffff  }
0x66: {  	v18 =	vor.u32 v49, v18;
	[tilespmem:s16+$0x100] =	vst v28;
	v28 =	vshll.u32 v39, $0x3;
	v31 =	vld.idx.msk [tilespmem:v31+s3+$0x0], $0xffff;
	v19 =	vand.u32 $0xFFFFFC00, v19  }
0x67: {  	s6 =	sor.u32 $0x280, s14;
	v22 =	vadd.f32 v23, v9;
	[tilespmem:s10+$0x100] =	vst v29;
	v29 =	vld.idx.msk [tilespmem:v38+s3+$0x0], $0xffff;
	v23 =	vand.u32 $0xFFFFFC00, v28;
	v19 =	vor.u32 v34, v19  }
0x68: {  	v53 =	vor.u32 $0x200, v16;
	s7 =	sor.u32 $0x300, s2;
	[tilespmem:s6+$0x3080] =	vst v33;
	v28 =	vld.idx.msk [tilespmem:v40+s3+$0x0], $0xffff;
	v51 =	vshll.u32 v26, $0x3;
	v54 =	vor.u32 v52, v23  }
0x69: {  	[tilespmem:s7+$0x3080] =	vst v22;
	v23 =	vand.u32 $0x7F, v26;
	v22 =	vand.u32 $0xFFFFFC00, v51;
	v26 =	vld.idx.msk [tilespmem:v27+s3+$0x0], $0xffff;
	v27 =	vadd.f32 v30, v12  }
0x6a: {  	v59 =	vor.u32 $0x380, v20;
	v55 =	vor.u32 v23, v22;
	v23 =	vld.idx.msk [tilespmem:v48+s3+$0x0], $0xffff;
	v30 =	vadd.f32 v50, v8  }
0x6b: {  	s23 =	sor.u32 $0x380, s18;
	v56 =	vld.idx.msk [tilespmem:v18+s3+$0x0], $0xffff;
	v32 =	vadd.f32 v32, v12;
	[tilespmem:s17+$0x180] =	vst v27  }
0x6c: {  	v61 =	vor.u32 $0x380, v21;
	v22 =	vor.u32 $0x200, v25;
	v21 =	vadd.f32 v31, v9;
	v27 =	vld.idx.msk [tilespmem:v19+s3+$0x0], $0xffff;
	[tilespmem:s23+$0x3080] =	vst v30  }
0x6d: {  	v57 =	vor.u32 $0x200, v24;
	s24 =	sor.u32 $0x300, s0;
	v29 =	vadd.f32 v29, v12;
	v30 =	vld.idx.msk [tilespmem:v53+s3+$0x0], $0xffff;
	[tilespmem:s15+$0x180] =	vst v32  }
0x6e: {  	v58 =	vor.u32 $0x200, v17;
	v20 =	vadd.f32 v28, v12;
	v28 =	vld.idx.msk [tilespmem:v54+s3+$0x0], $0xffff;
	[tilespmem:s24+$0x3080] =	vst v21  }
0x6f: {  	p0 =	por !p0, !p0;
	v60 =	vor.u32 $0x280, v25;
	s15 =	simm.s32 $0x1;
	[tilespmem:s16+$0x180] =	vst v29;
	v45 =	vld.idx.msk [tilespmem:v59+s3+$0x0], $0xffff  }
0x70: {  	v44 =	vor.u32 $0x280, v24;
	s18 =	simm.s32 $0x400;
	v29 =	vor.u32 $0x80, v19;
	s15 =	simm.s32 @!p0 $0x0;
	v62 =	vld.idx.msk [tilespmem:v55+s3+$0x0], $0xffff;
	[tilespmem:s10+$0x180] =	vst v20;
	v20 =	vadd.f32 v26, v9  }
0x71: {  	s25 =	sor.u32 $0x300, s14;
	s26 =	sand.u32 $0x7C00, s18;
	v43 =	vor.u32 $0x80, v54;
	v41 =	vld.idx.msk [tilespmem:v22+s3+$0x0], $0xffff;
	s15 =	sshll.u32 s15, $0x6;
	v26 =	vor.u32 $0x280, v16;
	v31 =	vadd.f32 v23, v8  }
0x72: {  	s2 =	sor.u32 $0x380, s2;
	s26 =	sadd.s32 $0x3080, s26;
	v21 =	vor.u32 $0x380, v24;
	v22 =	vor.u32 $0x300, v25;
	v42 =	vld.idx.msk [tilespmem:v57+s3+$0x0], $0xffff;
	s10 =	sadd.s32 $0x200, s15;
	[tilespmem:s25+$0x3080] =	vst v20;
	v27 =	vadd.f32 v27, v15  }
0x73: {  	s22 =	sor.u32 s21, s26;
	v23 =	vor.u32 $0x300, v24;
	v24 =	vor.u32 $0x80, v18;
	v36 =	vld.idx.msk [tilespmem:v58+s3+$0x0], $0xffff;
	s15 =	sadd.s32 $0x30, s10;
	[tilespmem:s2+$0x3080] =	vst v31;
	v30 =	vadd.f32 v30, v11  }
0x74: {  	v20 =	vor.u32 $0x380, v25;
	v25 =	vor.u32 $0x80, v55;
	v28 =	vadd.f32 v28, v15;
	s4 =	sor.u32 $0x200, s15;
	v46 =	vld.idx.msk [tilespmem:v61+s3+$0x0], $0xffff;
	[tilespmem:s22+$0x0] =	vst v27  }
0x75: {  	v49 =	vor.u32 $0x280, v17;
	v39 =	vor.u32 $0x300, v16;
	s23 =	sor.u32 s20, s26;
	v33 =	vadd.f32 v56, v15;
	[tilespmem:s4+$0x3080] =	vst v30;
	v47 =	vld.idx.msk [tilespmem:v29+s3+$0x0], $0xffff  }
0x76: {  	s29 =	simm.s32 $0x2140;
	s21 =	sor.u32 s1, s26;
	v35 =	vor.u32 $0x100, v54;
	v34 =	vor.u32 $0x100, v55;
	s24 =	simm.s32 $0x8;
	v27 =	vadd.f32 v62, v15;
	[tilespmem:s23+$0x0] =	vst v28;
	v48 =	vld.idx.msk [tilespmem:v26+s3+$0x0], $0xffff  }
0x77: {  	v32 =	vor.u32 $0x180, v54;
	s16 =	sor.u32 $0x380, s14;
	v31 =	vor.u32 $0x180, v55;
	s25 =	sor.u32 s19, s26;
	s5 =	sadd.s32 $0x10, s10;
	[tilespmem:s21+$0x0] =	vst v33;
	v28 =	vadd.f32 v41, v11;
	v41 =	vld.idx.msk [tilespmem:v43+s3+$0x0], $0xffff  }
0x78: {  	s6 =	sor.u32 $0x200, s10;
	s7 =	sadd.s32 $0x20, s10;
	s19 =	sor.u32 $0x200, s5;
	v33 =	vor.u32 $0x300, v54;
	v51 =	vadd.f32 v45, v8;
	v63 =	vadd.f32 v42, v11;
	v43 =	vld.idx.msk [tilespmem:v24+s3+$0x0], $0xffff;
	[tilespmem:s25+$0x0] =	vst v27  }
0x79: {  	s31 =	sor.u32 $0x280, s10;
	s30 =	sor.u32 $0x380, s10;
	s20 =	sor.u32 $0x200, s7;
	v45 =	vor.u32 $0x100, v19;
	v30 =	vor.u32 $0x200, v55;
	v50 =	vadd.f32 v36, v11;
	[tilespmem:s19+$0x3080] =	vst v28;
	v42 =	vld.idx.msk [tilespmem:v25+s3+$0x0], $0xffff  }
0x7a: {  	s26 =	simm.s32 $0x400;
	s28 =	sor.u32 $0x300, s5;
	s2 =	sor.u32 $0x280, s7;
	v29 =	vor.u32 $0x200, v54;
	v26 =	vor.u32 $0x280, v54;
	v24 =	vor.u32 $0x380, v55;
	[tilespmem:s20+$0x3080] =	vst v63;
	v37 =	vld.idx.msk [tilespmem:v60+s3+$0x0], $0xffff  }
0x7b: {  	s17 =	sor.u32 $0x380, s5;
	s14 =	sor.u32 $0x380, s7;
	s4 =	sor.u32 $0x380, s0;
	v27 =	vor.u32 $0x280, v55;
	v36 =	vadd.f32 v46, v8;
	[tilespmem:s6+$0x3080] =	vst v50;
	v40 =	vld.idx.msk [tilespmem:v44+s3+$0x0], $0xffff;
	v46 =	vadd.f32 v47, v14  }
0x7c: {  	s0 =	sor.u32 $0x280, s5;
	[tilespmem:s4+$0x3080] =	vst v51;
	v28 =	vor.u32 $0x300, v55;
	s19 =	sor.u32 $0x300, s10;
	s20 =	sor.u32 $0x300, s7;
	v25 =	vor.u32 $0x380, v54;
	v38 =	vld.idx.msk [tilespmem:v49+s3+$0x0], $0xffff;
	v44 =	vadd.f32 v48, v10  }
.LBB2_2:
0x7d: {  	v47 =	vld [tilespmem:s29+$0x0];
	v48 =	vor.u32 $0x100, v18;
	v41 =	vadd.f32 v41, v14;
	[tilespmem:s22+$0x80] =	vst v46;
	s1 =	sor.u32 $0x280, s15  }
0x7e: {  	v42 =	vadd.f32 v42, v14;
	v45 =	vld.idx.msk [tilespmem:v45+s3+$0x0], $0xffff;
	[tilespmem:s1+$0x3080] =	vst v44  }
0x7f: {  	v43 =	vadd.f32 v43, v14;
	[tilespmem:s23+$0x80] =	vst v41;
	v39 =	vld.idx.msk [tilespmem:v39+s3+$0x0], $0xffff  }
0x80: {  	s13 =	sadd.s32 $0x40, s13;
	v37 =	vadd.f32 v37, v10;
	v35 =	vld.idx.msk [tilespmem:v35+s3+$0x0], $0xffff;
	[tilespmem:s25+$0x80] =	vst v42  }
0x81: {  	s1 =	sand.u32 $0x40, s13;
	s4 =	sand.u32 $0xF80, s13;
	v40 =	vadd.f32 v40, v10;
	[tilespmem:s21+$0x80] =	vst v43;
	v34 =	vld.idx.msk [tilespmem:v34+s3+$0x0], $0xffff  }
0x82: {  	s24 =	sadd.s32 $0x4, s24;
	s4 =	sadd.s32 $0x2080, s4;
	s10 =	sor.u32 $0x30, s1;
	v42 =	vor.u32 $0x180, v19;
	v38 =	vadd.f32 v38, v10;
	v41 =	vld.idx.msk [tilespmem:v48+s3+$0x0], $0xffff;
	[tilespmem:s0+$0x3080] =	vst v37  }
0x83: {  	p1 =	slt.u32 s24, $0xFC;
	s5 =	sor.u32 s10, s4;
	s0 =	sor.u32 $0x10, s1;
	v37 =	vld.idx.msk [tilespmem:v22+s3+$0x0], $0xffff;
	[tilespmem:s2+$0x3080] =	vst v40;
	v40 =	vor.u32 $0x380, v16;
	v16 =	vmov v19;
	v22 =	vmov v33  }
0x84: {  	s6 =	sor.u32 s0, s4;
	s2 =	sor.u32 $0x20, s1;
	v33 =	vadd.f32 v45, v13;
	v19 =	vld [tilespmem:s5+$0x0];
	[tilespmem:s31+$0x3080] =	vst v38  }
0x85: {  	v43 =	vshll.u32 v47, $0x3;
	v38 =	vand.u32 $0x7F, v47;
	s4 =	sor.u32 s2, s4;
	v39 =	vadd.f32 v39, v9;
	v44 =	vld [tilespmem:s6+$0x0];
	[tilespmem:s16+$0x3080] =	vst v36;
	s16 =	smov.u32 s30  }
0x86: {  	v45 =	vor.u32 $0x180, v18;
	v36 =	vand.u32 $0xFFFFFC00, v43;
	v35 =	vadd.f32 v35, v13;
	v43 =	vld [tilespmem:s4+$0x0];
	[tilespmem:s22+$0x100] =	vst v33;
	s4 =	sor.u32 $0x300, s15  }
0x87: {  	v33 =	vor.u32 v38, v36;
	v34 =	vadd.f32 v34, v13;
	v36 =	vld.idx.msk [tilespmem:v42+s3+$0x0], $0xffff;
	[tilespmem:s4+$0x3080] =	vst v39  }
0x88: {  	v38 =	vadd.f32 v41, v13;
	v39 =	vor.u32 $0x380, v17;
	[tilespmem:s23+$0x100] =	vst v35;
	v35 =	vor.u32 $0x300, v17;
	v40 =	vld.idx.msk [tilespmem:v40+s3+$0x0], $0xffff;
	v17 =	vmovc v18  }
0x89: {  	v18 =	vmovc v33;
	v41 =	vshll.u32 v19, $0x3;
	v42 =	vor.u32 $0x200, v17;
	v46 =	vld.idx.msk [tilespmem:v32+s3+$0x0], $0xffff;
	[tilespmem:s25+$0x100] =	vst v34;
	v32 =	vadd.f32 v37, v9  }
0x8a: {  	v19 =	vand.u32 $0x7F, v19;
	v33 =	vshll.u32 v44, $0x3;
	v34 =	vand.u32 $0xFFFFFC00, v41;
	[tilespmem:s21+$0x100] =	vst v38;
	v37 =	vld.idx.msk [tilespmem:v31+s3+$0x0], $0xffff  }
0x8b: {  	v31 =	vand.u32 $0xFFFFFC00, v33;
	v33 =	vshll.u32 v43, $0x3;
	v19 =	vor.u32 v19, v34;
	v38 =	vld.idx.msk [tilespmem:v45+s3+$0x0], $0xffff;
	[tilespmem:s28+$0x3080] =	vst v32  }
0x8c: {  	v41 =	vor.u32 $0x200, v16;
	v32 =	vand.u32 $0x7F, v44;
	v33 =	vand.u32 $0xFFFFFC00, v33;
	v44 =	vld.idx.msk [tilespmem:v23+s3+$0x0], $0xffff;
	v23 =	vmovc v28  }
0x8d: {  	v45 =	vor.u32 v32, v31;
	v28 =	vand.u32 $0x7F, v43;
	v31 =	vadd.f32 v36, v12;
	v36 =	vld.idx.msk [tilespmem:v35+s3+$0x0], $0xffff  }
0x8e: {  	v43 =	vor.u32 $0x80, v45;
	v47 =	vor.u32 v28, v33;
	v28 =	vadd.f32 v40, v8;
	v48 =	vld.idx.msk [tilespmem:v20+s3+$0x0], $0xffff;
	v20 =	vmovc v25  }
0x8f: {  	s4 =	sor.u32 $0x380, s15;
	v35 =	vor.u32 $0x100, v45;
	v49 =	vor.u32 $0x80, v47;
	v34 =	vor.u32 $0x100, v47;
	v40 =	vld.idx.msk [tilespmem:v18+s3+$0x0], $0xffff;
	[tilespmem:s22+$0x180] =	vst v31  }
0x90: {  	v32 =	vor.u32 $0x180, v45;
	v25 =	vadd.f32 v46, v12;
	v31 =	vor.u32 $0x180, v47;
	v50 =	vld.idx.msk [tilespmem:v19+s3+$0x0], $0xffff;
	[tilespmem:s4+$0x3080] =	vst v28  }
0x91: {  	v46 =	vor.u32 $0x200, v45;
	v37 =	vadd.f32 v37, v12;
	v38 =	vadd.f32 v38, v12;
	v41 =	vld.idx.msk [tilespmem:v41+s3+$0x0], $0xffff  }
0x92: {  	v52 =	vor.u32 $0x280, v45;
	v53 =	vor.u32 $0x200, v47;
	v54 =	vor.u32 $0x280, v47;
	v51 =	vld.idx.msk [tilespmem:v45+s3+$0x0], $0xffff;
	[tilespmem:s23+$0x180] =	vst v25  }
0x93: {  	p0 =	por !p0, !p0;
	s18 =	sadd.s32 $0x200, s18;
	v33 =	vor.u32 $0x300, v45;
	v28 =	vor.u32 $0x300, v47;
	s4 =	simm.s32 $0x1;
	v55 =	vld.idx.msk [tilespmem:v47+s3+$0x0], $0xffff;
	[tilespmem:s25+$0x180] =	vst v37;
	v37 =	vadd.f32 v44, v9  }
0x94: {  	s5 =	sand.u32 $0x7C00, s18;
	s4 =	simm.s32 @!p0 $0x0;
	v25 =	vor.u32 $0x380, v45;
	v36 =	vadd.f32 v36, v9;
	v44 =	vor.u32 $0x80, v19;
	[tilespmem:s21+$0x180] =	vst v38;
	v38 =	vld.idx.msk [tilespmem:v29+s3+$0x0], $0xffff;
	v29 =	vmovc v46  }
0x95: {  	s5 =	sadd.s32 $0x3080, s5;
	v45 =	vor.u32 $0x380, v47;
	s4 =	sshll.u32 s4, $0x6;
	v47 =	vor.u32 $0x280, v16;
	v48 =	vadd.f32 v48, v8;
	v46 =	vld.idx.msk [tilespmem:v30+s3+$0x0], $0xffff;
	[tilespmem:s20+$0x3080] =	vst v37;
	v30 =	vmovc v53  }
0x96: {  	s22 =	sor.u32 s10, s5;
	s4 =	sadd.s32 s4, s26;
	s26 =	smov.u32 s18;
	v37 =	vadd.f32 v50, v15;
	v50 =	vld.idx.msk [tilespmem:v42+s3+$0x0], $0xffff;
	[tilespmem:s19+$0x3080] =	vst v36  }
0x97: {  	s23 =	sor.u32 s0, s5;
	s21 =	sor.u32 s1, s5;
	s15 =	sadd.s32 $0x30, s4;
	v36 =	vadd.f32 v41, v11;
	[tilespmem:s17+$0x3080] =	vst v48;
	v48 =	vld.idx.msk [tilespmem:v21+s3+$0x0], $0xffff;
	v21 =	vmov v24;
	v24 =	vmov v45  }
0x98: {  	s25 =	sor.u32 s2, s5;
	s1 =	sor.u32 $0x200, s4;
	s0 =	sor.u32 $0x200, s15;
	v45 =	vor.u32 $0x80, v18;
	v41 =	vadd.f32 v51, v15;
	[tilespmem:s22+$0x0] =	vst v37;
	v51 =	vld.idx.msk [tilespmem:v39+s3+$0x0], $0xffff  }
0x99: {  	s5 =	sadd.s32 $0x10, s4;
	s6 =	sadd.s32 $0x20, s4;
	s31 =	sor.u32 $0x280, s4;
	v37 =	vadd.f32 v55, v15;
	v44 =	vld.idx.msk [tilespmem:v44+s3+$0x0], $0xffff;
	[tilespmem:s0+$0x3080] =	vst v36  }
0x9a: {  	s10 =	sor.u32 $0x200, s5;
	s7 =	sor.u32 $0x200, s6;
	v36 =	vadd.f32 v40, v15;
	v38 =	vadd.f32 v38, v11;
	s0 =	sor.u32 $0x280, s5;
	[tilespmem:s23+$0x0] =	vst v41;
	v47 =	vld.idx.msk [tilespmem:v47+s3+$0x0], $0xffff  }
0x9b: {  	v53 =	vor.u32 $0x280, v17;
	s28 =	sor.u32 $0x300, s5;
	s2 =	sor.u32 $0x280, s6;
	s20 =	sor.u32 $0x300, s6;
	v39 =	vadd.f32 v46, v11;
	v41 =	vld.idx.msk [tilespmem:v43+s3+$0x0], $0xffff;
	[tilespmem:s25+$0x0] =	vst v37  }
.Ltmp0:
0x9c: {  	s19 =	sor.u32 $0x300, s4;
	s17 =	sor.u32 $0x380, s5;
	v40 =	vadd.f32 v50, v11;
	[tilespmem:s21+$0x0] =	vst v36;
	v42 =	vld.idx.msk [tilespmem:v49+s3+$0x0], $0xffff;
	(pc) =	sbr.rel @p1 .LBB2_2-.Ltmp0, $4  }
0x9d: {  	s30 =	sor.u32 $0x380, s4;
	s4 =	sor.u32 $0x380, s6;
	v48 =	vadd.f32 v48, v8;
	v43 =	vld.idx.msk [tilespmem:v45+s3+$0x0], $0xffff;
	v45 =	vor.u32 $0x100, v19;
	[tilespmem:s10+$0x3080] =	vst v38  }
0x9e: {  	v36 =	vadd.f32 v51, v8;
	v37 =	vld.idx.msk [tilespmem:v26+s3+$0x0], $0xffff;
	[tilespmem:s7+$0x3080] =	vst v39;
	v39 =	vor.u32 $0x300, v16;
	v26 =	vmov v52  }
0x9f: {  	v46 =	vadd.f32 v44, v14;
	[tilespmem:s1+$0x3080] =	vst v40;
	v40 =	vld.idx.msk [tilespmem:v27+s3+$0x0], $0xffff;
	v27 =	vmov v54  }
0xa0: {  	s29 =	sadd.s32 $0x40, s29;
	v44 =	vadd.f32 v47, v10;
	v38 =	vld.idx.msk [tilespmem:v53+s3+$0x0], $0xffff;
	[tilespmem:s14+$0x3080] =	vst v48;
	s14 =	smov.u32 s4  }
0xa1: {  	_ =	sdelay $0x1  }
0xa2: {  	v15 =	vor.u32 $0x100, v18;
	v41 =	vadd.f32 v41, v14  }
0xa3: {  	[tilespmem:s22+$0x80] =	vst v46;
	v42 =	vadd.f32 v42, v14  }
0xa4: {  	v45 =	vld.idx.msk [tilespmem:v45+s3+$0x0], $0xffff;
	v61 =	vadd.f32 v43, v14;
	[tilespmem:s23+$0x80] =	vst v41  }
0xa5: {  	[tilespmem:s25+$0x80] =	vst v42;
	v35 =	vld.idx.msk [tilespmem:v35+s3+$0x0], $0xffff  }
0xa6: {  	[tilespmem:s21+$0x80] =	vst v61;
	v62 =	vld.idx.msk [tilespmem:v34+s3+$0x0], $0xffff  }
0xa7: {  	v63 =	vor.u32 $0x180, v19;
	v15 =	vld.idx.msk [tilespmem:v15+s3+$0x0], $0xffff;
	_ =	sdelay $0x1  }
0xa8: {  	v45 =	vadd.f32 v45, v13  }
0xa9: {  	v46 =	vor.u32 $0x180, v18;
	v35 =	vadd.f32 v35, v13  }
0xaa: {  	[tilespmem:s22+$0x100] =	vst v45;
	v14 =	vadd.f32 v62, v13  }
0xab: {  	v34 =	vld.idx.msk [tilespmem:v63+s3+$0x0], $0xffff;
	v47 =	vadd.f32 v15, v13;
	[tilespmem:s23+$0x100] =	vst v35  }
0xac: {  	[tilespmem:s25+$0x100] =	vst v14;
	v48 =	vld.idx.msk [tilespmem:v32+s3+$0x0], $0xffff  }
0xad: {  	v49 =	vld.idx.msk [tilespmem:v31+s3+$0x0], $0xffff;
	[tilespmem:s21+$0x100] =	vst v47  }
0xae: {  	v51 =	vor.u32 $0x200, v19;
	v50 =	vld.idx.msk [tilespmem:v46+s3+$0x0], $0xffff;
	_ =	sdelay $0x1  }
0xaf: {  	v52 =	vadd.f32 v34, v12  }
0xb0: {  	v53 =	vor.u32 $0x200, v18;
	v15 =	vadd.f32 v48, v12  }
0xb1: {  	[tilespmem:s22+$0x180] =	vst v52;
	v13 =	vadd.f32 v49, v12  }
0xb2: {  	v55 =	vld.idx.msk [tilespmem:v51+s3+$0x0], $0xffff;
	v54 =	vadd.f32 v50, v12;
	[tilespmem:s23+$0x180] =	vst v15  }
0xb3: {  	p0 =	por !p0, !p0;
	s1 =	simm.s32 $0x1;
	[tilespmem:s25+$0x180] =	vst v13;
	v56 =	vld.idx.msk [tilespmem:v29+s3+$0x0], $0xffff  }
0xb4: {  	s1 =	simm.s32 @!p0 $0x0;
	v57 =	vld.idx.msk [tilespmem:v30+s3+$0x0], $0xffff;
	[tilespmem:s21+$0x180] =	vst v54  }
0xb5: {  	v58 =	vor.u32 $0x280, v19;
	s1 =	sshll.u32 s1, $0x6;
	v59 =	vld.idx.msk [tilespmem:v53+s3+$0x0], $0xffff  }
0xb6: {  	s1 =	sadd.s32 s1, s26  }
0xb7: {  	s10 =	sadd.s32 $0x30, s1;
	v14 =	vadd.f32 v55, v11  }
0xb8: {  	v60 =	vor.u32 $0x280, v18;
	[tilespmem:s16+$0x3080] =	vst v36;
	s13 =	sadd.s32 $0x10, s1;
	s25 =	sor.u32 $0x200, s10;
	v13 =	vadd.f32 v56, v11  }
0xb9: {  	s18 =	sadd.s32 $0x20, s1;
	s26 =	sor.u32 $0x200, s13;
	[tilespmem:s25+$0x3080] =	vst v14;
	v12 =	vadd.f32 v57, v11  }
0xba: {  	s5 =	sor.u32 $0x200, s18;
	v14 =	vld.idx.msk [tilespmem:v58+s3+$0x0], $0xffff;
	v61 =	vadd.f32 v59, v11;
	[tilespmem:s26+$0x3080] =	vst v13  }
0xbb: {  	s29 =	sor.u32 $0x200, s1;
	[tilespmem:s5+$0x3080] =	vst v12;
	v63 =	vld.idx.msk [tilespmem:v26+s3+$0x0], $0xffff  }
0xbc: {  	s4 =	sor.u32 $0x280, s15;
	v62 =	vadd.f32 v37, v10;
	v35 =	vor.u32 $0x300, v17;
	v34 =	vadd.f32 v40, v10;
	v37 =	vld.idx.msk [tilespmem:v27+s3+$0x0], $0xffff;
	[tilespmem:s29+$0x3080] =	vst v61  }
0xbd: {  	[tilespmem:s4+$0x3080] =	vst v44;
	v40 =	vor.u32 $0x300, v19;
	v41 =	vld.idx.msk [tilespmem:v60+s3+$0x0], $0xffff  }
0xbe: {  	v42 =	vld.idx.msk [tilespmem:v39+s3+$0x0], $0xffff;
	v38 =	vadd.f32 v38, v10;
	[tilespmem:s2+$0x3080] =	vst v34  }
0xbf: {  	[tilespmem:s0+$0x3080] =	vst v62;
	v44 =	vld.idx.msk [tilespmem:v23+s3+$0x0], $0xffff;
	v14 =	vadd.f32 v14, v10  }
0xc0: {  	s4 =	sor.u32 $0x280, s10;
	[tilespmem:s31+$0x3080] =	vst v38;
	v45 =	vor.u32 $0x300, v18;
	v43 =	vld.idx.msk [tilespmem:v22+s3+$0x0], $0xffff;
	v15 =	vadd.f32 v63, v10  }
0xc1: {  	v16 =	vor.u32 $0x380, v16;
	s5 =	sor.u32 $0x280, s13;
	v26 =	vld.idx.msk [tilespmem:v35+s3+$0x0], $0xffff;
	[tilespmem:s4+$0x3080] =	vst v14;
	v11 =	vadd.f32 v37, v10  }
0xc2: {  	s6 =	sor.u32 $0x280, s18;
	v13 =	vld.idx.msk [tilespmem:v40+s3+$0x0], $0xffff;
	v46 =	vadd.f32 v41, v10;
	[tilespmem:s5+$0x3080] =	vst v15  }
0xc3: {  	s7 =	sor.u32 $0x280, s1;
	v47 =	vadd.f32 v42, v9;
	[tilespmem:s6+$0x3080] =	vst v11;
	v15 =	vld.idx.msk [tilespmem:v33+s3+$0x0], $0xffff  }
0xc4: {  	s16 =	sor.u32 $0x300, s15;
	v48 =	vor.u32 $0x380, v17;
	v50 =	vadd.f32 v44, v9;
	v49 =	vld.idx.msk [tilespmem:v28+s3+$0x0], $0xffff;
	[tilespmem:s7+$0x3080] =	vst v46  }
0xc5: {  	[tilespmem:s16+$0x3080] =	vst v47;
	v51 =	vor.u32 $0x380, v19;
	v12 =	vadd.f32 v43, v9;
	v52 =	vld.idx.msk [tilespmem:v45+s3+$0x0], $0xffff  }
0xc6: {  	v16 =	vld.idx.msk [tilespmem:v16+s3+$0x0], $0xffff;
	[tilespmem:s20+$0x3080] =	vst v50;
	v53 =	vadd.f32 v26, v9  }
0xc7: {  	v54 =	vld.idx.msk [tilespmem:v21+s3+$0x0], $0xffff;
	[tilespmem:s28+$0x3080] =	vst v12;
	v13 =	vadd.f32 v13, v9  }
0xc8: {  	s21 =	sor.u32 $0x300, s10;
	v55 =	vor.u32 $0x380, v18;
	v20 =	vld.idx.msk [tilespmem:v20+s3+$0x0], $0xffff;
	[tilespmem:s19+$0x3080] =	vst v53;
	v15 =	vadd.f32 v15, v9  }
0xc9: {  	s22 =	sor.u32 $0x300, s13;
	v11 =	vld.idx.msk [tilespmem:v48+s3+$0x0], $0xffff;
	[tilespmem:s21+$0x3080] =	vst v13;
	v10 =	vadd.f32 v49, v9  }
0xca: {  	s23 =	sor.u32 $0x300, s18;
	v13 =	vld.idx.msk [tilespmem:v51+s3+$0x0], $0xffff;
	[tilespmem:s22+$0x3080] =	vst v15;
	v56 =	vadd.f32 v52, v9  }
0xcb: {  	s24 =	sor.u32 $0x300, s1;
	v57 =	vadd.f32 v16, v8;
	[tilespmem:s23+$0x3080] =	vst v10;
	v58 =	vld.idx.msk [tilespmem:v25+s3+$0x0], $0xffff  }
0xcc: {  	s25 =	sor.u32 $0x380, s15;
	v12 =	vadd.f32 v54, v8;
	v60 =	vld.idx.msk [tilespmem:v24+s3+$0x0], $0xffff;
	[tilespmem:s24+$0x3080] =	vst v56  }
0xcd: {  	[tilespmem:s25+$0x3080] =	vst v57;
	v59 =	vadd.f32 v20, v8;
	v14 =	vld.idx.msk [tilespmem:v55+s3+$0x0], $0xffff  }
0xce: {  	[tilespmem:s14+$0x3080] =	vst v12;
	v61 =	vadd.f32 v11, v8  }
0xcf: {  	[tilespmem:s17+$0x3080] =	vst v59;
	v62 =	vadd.f32 v13, v8  }
0xd0: {  	s26 =	sor.u32 $0x380, s10;
	[tilespmem:s30+$0x3080] =	vst v61;
	v63 =	vadd.f32 v58, v8  }
0xd1: {  	s28 =	sor.u32 $0x380, s13;
	[tilespmem:s26+$0x3080] =	vst v62;
	v9 =	vadd.f32 v60, v8  }
0xd2: {  	s29 =	sor.u32 $0x380, s18;
	[tilespmem:s28+$0x3080] =	vst v63;
	v8 =	vadd.f32 v14, v8  }
0xd3: {  	s1 =	sor.u32 $0x380, s1;
	[tilespmem:s29+$0x3080] =	vst v9  }
0xd4: {  	[tilespmem:s1+$0x3080] =	vst v8  }
0xd5: {  	s30 =	simm.s32 $0x3080;
	s0 =	rddreg [dreg:$0x7]  }
0xd6: {  	[hbm4b:s0+s3] =	stream.linear.scatter [tilespmem:s30], [sflag:$0x2], $0x8000, $0x38;
	[tilespmem:$0xB080] =	vst v63  }
0xd7: {  	_ =	swait.ge [sflag:s11], $0x8000  }
0xd8: {  	s12 =	sadd.s32 $0x1, s12;
	s31 =	rddreg [dreg:$0x8]  }
0xd9: {  	p0 =	sne.s32 s12, s31  }
.Ltmp1:
0xda: {  	_ = 	snop;
	(pc) =	sbr.rel @p0 .LBB2_1-.Ltmp1, $3  }
0xdb: {  	_ =	sdelay $0x1  }
0xdc: {  	[sflag:s11] =	ssyncset.done $0x0  }
0xdd: {  	[sflag:s11] =	ssyncadd.s32 $0xFFFF8000  }
0xde: {  	_ =	sfence.sel $0x180000  }
0xdf: {  	[bflag:$0x0] =	sbarrier.arrive $0xFFFF  }
0xe0: {  	_ =	strace $0x90000047  }
0xe1: {  	s0 =	stileid.u32;
	[bflag:$0x2] =	sbarrier.arrive $0xFFFF  }
0xe2: {  	p0 =	sne.s32 s0, $0x0;
	s0 =	rddreg [dreg:$0x4]  }
0xe3: {  	s0 =	sadd.s32 @!p0 $0x100000, s0  }
0xe4: {  	[sflag:s0] =	ssyncadd.tile.s32 @!p0 $0x1;
	_ =	shalt  }
.Lfunc_end2:
_tile_overlayer_lowered:
.L_overlay_start_2:
0xe5: {  	(tag) =	ssettag $0x2  }
0xe6: {  	s0 =	rddreg [dreg:$0x0];
	s2 =	stileid.u32  }
0xe7: {  	s1 =	rddreg [dreg:$0x1];
	p0 =	sne.s32 s2, $0x0  }
0xe8: {  	s3 =	rddreg [dreg:$0x2];
	[bflag:$0x3] =	sbarrier.arrive $0xFFFF;
	s2 =	simm.s32 @!p0 $0x1C02  }
0xe9: {  	[timem:s3], [sflag:s2] =	dma.local @!p0 [hbm:s0], s1  }
0xea: {  	s0 =	simm.s32 @!p0 $0x2  }
0xeb: {  	_ =	swait.ge @!p0 [sflag:s0], s1  }
0xec: {  	s1 =	ssub.s32 @!p0 $0x0, s1;
	[sflag:s0] =	ssyncset.done @!p0 $0x0  }
0xed: {  	[sflag:s0] =	ssyncadd.s32 @!p0 s1  }
0xee: {  	[bflag:$0x3] =	sbarrier.arrive $0xFFFF  }
0xef: {  	_ =	shalt  }

</sc_bundles>
